<compile_context>
chip_gen: v7x
topology: tpu7x:2x2x1
jax: 0.10.2.dev20260603
libtpu: 0.0.44.dev20260713+nightly
codegen_flags: <defaults>
</compile_context>

<pallas_src>
import functools

import jax
import jax.numpy as jnp
from jax import lax
from jax.experimental import pallas as pl
from jax.experimental.pallas import tpu as pltpu
from jax.experimental.pallas import tpu_sc as plsc

N_ROWS = 100000
D = 128
NUM_GRAPHS = 64
REUSE_WEIGHT = 0.01

NW = 32
CHUNK = 128
CPW = 7
SC_ROWS = NW * CPW * CHUNK
TC_ROWS = N_ROWS - SC_ROWS
NTCB = 4
TCB = TC_ROWS // NTCB
ACC_ROWS = 72
CW = 16


def _sc_partial_sums(codes, idx3d):
    mesh = plsc.VectorSubcoreMesh(core_axis_name="c", subcore_axis_name="s")

    @functools.partial(
        pl.kernel,
        mesh=mesh,
        out_type=[
            jax.ShapeDtypeStruct((2, ACC_ROWS, D), jnp.float32),
            jax.ShapeDtypeStruct((2, ACC_ROWS, CW), jnp.float32),
        ],
        scratch_types=[
            pltpu.VMEM((1, CPW, CHUNK), jnp.int32),
            pltpu.VMEM((2, CHUNK, D), jnp.float32),
            pltpu.VMEM((CHUNK, CW), jnp.float32),
            pltpu.VMEM_SHARED((ACC_ROWS, D), jnp.float32),
            pltpu.VMEM_SHARED((ACC_ROWS, CW), jnp.float32),
            pltpu.SemaphoreType.DMA,
            pltpu.SemaphoreType.DMA,
        ],
    )
    def sc_kernel(codes_hbm, idx_hbm, out_s_hbm, out_c_hbm,
                  idx_v, stage_v, ones_v, acc_sh, cnt_sh, sem0, sem1):
        cid = lax.axis_index("c")
        sid = lax.axis_index("s")
        wid = cid * 16 + sid
        sems = (sem0, sem1)

        pltpu.sync_copy(idx_hbm.at[pl.ds(wid, 1)], idx_v)

        zv = jnp.zeros((16,), jnp.float32)
        ov = jnp.ones((16,), jnp.float32)

        @pl.when(sid == 0)
        def _():
            def zrow(r, carry):
                for c8 in range(D // 16):
                    stage_v[0, r, c8 * 16:(c8 + 1) * 16] = zv
                ones_v[r % CHUNK, :] = zv
                return carry

            lax.fori_loop(0, ACC_ROWS, zrow, 0)
            pltpu.sync_copy(stage_v.at[0, pl.ds(0, ACC_ROWS)], acc_sh)
            pltpu.sync_copy(ones_v.at[pl.ds(0, ACC_ROWS)], cnt_sh)

        def orow(r, carry):
            ones_v[r, :] = ov
            return carry

        lax.fori_loop(0, CHUNK, orow, 0)
        plsc.subcore_barrier()

        def start_in(c, b):
            src = TC_ROWS + (wid * CPW + c) * CHUNK
            pltpu.async_copy(codes_hbm.at[pl.ds(src, CHUNK)], stage_v.at[b],
                             sems[b])

        def wait_in(b):
            pltpu.make_async_copy(codes_hbm.at[pl.ds(0, CHUNK)],
                                  stage_v.at[b], sems[b]).wait()

        def scatter(c, b):
            pltpu.sync_copy(stage_v.at[b], acc_sh.at[idx_v.at[0, c]],
                            add=True)
            pltpu.sync_copy(ones_v, cnt_sh.at[idx_v.at[0, c]], add=True)

        start_in(0, 0)

        def body(i, carry):
            base = i * 2
            wait_in(0)
            start_in(base + 1, 1)
            scatter(base, 0)
            wait_in(1)
            start_in(base + 2, 0)
            scatter(base + 1, 1)
            return carry

        if CPW % 2:
            lax.fori_loop(0, (CPW - 1) // 2, body, 0)
            wait_in(0)
            scatter(CPW - 1, 0)
        else:
            lax.fori_loop(0, (CPW - 2) // 2, body, 0)
            wait_in(0)
            start_in(CPW - 1, 1)
            scatter(CPW - 2, 0)
            wait_in(1)
            scatter(CPW - 1, 1)
        plsc.subcore_barrier()

        @pl.when(sid == 0)
        def _():
            pltpu.sync_copy(acc_sh, out_s_hbm.at[cid])
            pltpu.sync_copy(cnt_sh, out_c_hbm.at[cid])

    return sc_kernel(codes, idx3d)


def _tc_partial_sums(codes, batch3d):
    def body(b_ref, x_ref, s_ref, c_ref):
        g = pl.program_id(0)
        b = b_ref[0, 0:1, :]
        iot = lax.broadcasted_iota(jnp.int32, (NUM_GRAPHS, TCB), 0)
        oh = (jnp.broadcast_to(b, (NUM_GRAPHS, TCB)) == iot)
        ohf = oh.astype(jnp.float32)
        ps = jax.lax.dot_general(ohf, x_ref[...], (((1,), (0,)), ((), ())),
                                 preferred_element_type=jnp.float32)
        pc = jnp.sum(ohf, axis=1, keepdims=True)

        @pl.when(g == 0)
        def _():
            s_ref[...] = jnp.zeros_like(s_ref)
            c_ref[...] = jnp.zeros_like(c_ref)

        s_ref[...] += ps
        c_ref[...] += jnp.broadcast_to(pc, (NUM_GRAPHS, D))

    return pl.pallas_call(
        body,
        grid=(NTCB,),
        in_specs=[
            pl.BlockSpec((1, 1, TCB), lambda g: (g, 0, 0)),
            pl.BlockSpec((TCB, D), lambda g: (g, 0)),
        ],
        out_specs=[
            pl.BlockSpec((NUM_GRAPHS, D), lambda g: (0, 0)),
            pl.BlockSpec((NUM_GRAPHS, D), lambda g: (0, 0)),
        ],
        out_shape=[
            jax.ShapeDtypeStruct((NUM_GRAPHS, D), jnp.float32),
            jax.ShapeDtypeStruct((NUM_GRAPHS, D), jnp.float32),
        ],
    )(batch3d, codes)


def _tc_finalize(sc_s, sc_c, tc_s, tc_c):
    def body(ss_ref, sc_ref, ts_ref, tcn_ref, o_ref):
        s = ss_ref[0, :NUM_GRAPHS, :] + ss_ref[1, :NUM_GRAPHS, :] + ts_ref[...]
        cnt = (sc_ref[0, :NUM_GRAPHS, 0:1] + sc_ref[1, :NUM_GRAPHS, 0:1]
               + tcn_ref[:, 0:1])
        m = s / cnt
        mu = jnp.mean(m, axis=0, keepdims=True)
        var = jnp.sum((m - mu) ** 2, axis=0) / (NUM_GRAPHS - 1)
        o_ref[0, 0] = -REUSE_WEIGHT * jnp.mean(var)

    return pl.pallas_call(
        body,
        out_shape=jax.ShapeDtypeStruct((1, 1), jnp.float32),
        out_specs=pl.BlockSpec(memory_space=pltpu.SMEM),
    )(sc_s, sc_c, tc_s, tc_c)


def kernel(sparse_codes, batch):
    b32 = batch.astype(jnp.int32)

    idx3d = b32[TC_ROWS:].reshape(NW, CPW, CHUNK)
    batch3d = b32[:TC_ROWS].reshape(NTCB, 1, TCB)

    sc_s, sc_c = _sc_partial_sums(sparse_codes, idx3d)
    tc_s, tc_c = _tc_partial_sums(sparse_codes, batch3d)
    return _tc_finalize(sc_s, sc_c, tc_s, tc_c)[0, 0]

# --- scband reference (transcript-rebuilt; emitter-appended) ---
"""Pipeline reference for scband-global-pattern-regularizer-25812753449664 (READ-ONLY COPY).

The authoritative reference and input builder live on the scoring server;
editing this copy changes nothing except your own understanding.
"""

import jax, jax.numpy as jnp
import numpy as np

NUM_GRAPHS = 64
REUSE_WEIGHT = 0.01

def setup_inputs(seed: int = 0) -> dict:
    key = jax.random.key(seed)
    k1, k2 = jax.random.split(key)
    sparse_codes = jax.random.normal(k1, (100000, 128), dtype=jnp.float32)
    batch = jnp.sort(jax.random.randint(k2, (100000,), 0, NUM_GRAPHS, dtype=jnp.int64))
    return {"sparse_codes": sparse_codes, "batch": batch}

def reference(sparse_codes, batch):
    # per-graph mean of sparse codes (segment mean)
    sums = jax.ops.segment_sum(sparse_codes, batch, num_segments=NUM_GRAPHS)
    counts = jax.ops.segment_sum(
        jnp.ones((sparse_codes.shape[0],), dtype=sparse_codes.dtype),
        batch, num_segments=NUM_GRAPHS)
    graph_codes = sums / counts[:, None]  # [NUM_GRAPHS, num_atoms]
    # variance of atom usage across graphs (torch default: unbiased, ddof=1)
    atom_variances = jnp.var(graph_codes, axis=0, ddof=1)  # [num_atoms]
    reuse_loss = -REUSE_WEIGHT * jnp.mean(atom_variances)
    return reuse_loss

if __name__ == "__main__":
    import jax
    _d = setup_inputs()
    print(jax.jit(kernel)(*tuple(_d.values())))

</pallas_src>

<mosaic_0001>
#map = affine_map<(d0, d1) -> (0, 0)>
#map1 = affine_map<(d0, d1) -> (0, 0, 0)>
module attributes {stable_mosaic.version = 14 : i64} {
  func.func @sc_kernel(%arg0: i32, %arg1: i32, %arg2: memref<100000x128xf32, #tpu.memory_space<hbm>>, %arg3: memref<32x7x128xi32, #tpu.memory_space<hbm>>, %arg4: memref<2x72x128xf32, #tpu.memory_space<hbm>>, %arg5: memref<2x72x16xf32, #tpu.memory_space<hbm>>, %arg6: memref<1x7x128xi32, #tpu.memory_space<vmem>>, %arg7: memref<2x128x128xf32, #tpu.memory_space<vmem>>, %arg8: memref<128x16xf32, #tpu.memory_space<vmem>>, %arg9: memref<72x128xf32, #tpu.memory_space<vmem_shared>>, %arg10: memref<72x16xf32, #tpu.memory_space<vmem_shared>>, %arg11: memref<!tpu.dma_semaphore, #tpu.memory_space<semaphore_mem>>, %arg12: memref<!tpu.dma_semaphore, #tpu.memory_space<semaphore_mem>>) attributes {dimension_semantics = [#tpu.dimension_semantics<core_parallel>, #tpu.dimension_semantics<subcore_parallel>], iteration_bounds = array<i64: 2, 16>, scalar_prefetch = 0 : i64, scratch_operands = 7 : i64, tpu.core_type = #tpu.core_type<sc_vector_subcore>, window_params = [{transform_indices = #map}, {transform_indices = #map1}, {transform_indices = #map1}, {transform_indices = #map1}]} {
    %mul3A = arith.constant 16 : i32
    %mul3A_0 = arith.muli %arg0, %mul3A : i32
    %add3A = arith.addi %mul3A_0, %arg1 : i32
    "tpu.region"() ({
      %run_scoped3A_61 = tpu.sem_alloc : memref<!tpu.dma_semaphore, #tpu.memory_space<semaphore_mem>>
      %dma_start3A_62 = arith.constant 0 : i32
      %dma_start3A_63 = arith.constant 0 : i32
      %dma_start3A_64 = tpu.memref_slice %arg3[%add3A, %dma_start3A_62, %dma_start3A_63] : memref<32x7x128xi32, #tpu.memory_space<hbm>> -> memref<1x7x128xi32, #tpu.memory_space<hbm>>
      %dma_start3A_65 = arith.constant 0 : i32
      %dma_start3A_66 = arith.constant 0 : i32
      %dma_start3A_67 = tpu.memref_slice %arg3[%add3A, %dma_start3A_65, %dma_start3A_66] : memref<32x7x128xi32, #tpu.memory_space<hbm>> -> memref<1x7x128xi32, #tpu.memory_space<hbm>>
      tpu.enqueue_dma source(%dma_start3A_67 : memref<1x7x128xi32, #tpu.memory_space<hbm>>) target(%arg6 : memref<1x7x128xi32, #tpu.memory_space<vmem>>) target_semaphore(%run_scoped3A_61 : memref<!tpu.dma_semaphore, #tpu.memory_space<semaphore_mem>>)
      %dma_wait3A_68 = arith.constant 0 : i32
      %dma_wait3A_69 = arith.constant 0 : i32
      %dma_wait3A_70 = tpu.memref_slice %arg3[%add3A, %dma_wait3A_68, %dma_wait3A_69] : memref<32x7x128xi32, #tpu.memory_space<hbm>> -> memref<1x7x128xi32, #tpu.memory_space<hbm>>
      %dma_wait3A_71 = arith.constant 0 : i32
      %dma_wait3A_72 = arith.constant 0 : i32
      %dma_wait3A_73 = tpu.memref_slice %arg3[%add3A, %dma_wait3A_71, %dma_wait3A_72] : memref<32x7x128xi32, #tpu.memory_space<hbm>> -> memref<1x7x128xi32, #tpu.memory_space<hbm>>
      tpu.wait_dma2 semaphore(%run_scoped3A_61 : memref<!tpu.dma_semaphore, #tpu.memory_space<semaphore_mem>>) src(%dma_wait3A_73 : memref<1x7x128xi32, #tpu.memory_space<hbm>>) dst(%arg6 : memref<1x7x128xi32, #tpu.memory_space<vmem>>)
      tpu.yield
    }) : () -> ()
    %broadcast_in_dim3A = arith.constant 0.000000e+00 : f32
    %broadcast_in_dim3A_1 = vector.broadcast %broadcast_in_dim3A : f32 to vector<16xf32>
    %broadcast_in_dim3A_2 = arith.constant 1.000000e+00 : f32
    %broadcast_in_dim3A_3 = vector.broadcast %broadcast_in_dim3A_2 : f32 to vector<16xf32>
    %eq3A = arith.constant 0 : i32
    %eq3A_4 = arith.cmpi eq, %arg1, %eq3A : i32
    %convert_element_type3A = arith.extui %eq3A_4 : i1 to i32
    %cond3A = arith.constant 0 : i32
    %cond3A_5 = arith.cmpi ne, %convert_element_type3A, %cond3A : i32
    scf.if %cond3A_5 {
      %scan3A_61 = arith.constant 0 : i32
      %scan3A_62 = arith.constant 0 : i32
      %scan3A_63 = arith.constant 72 : i32
      %scan3A_64 = arith.addi %scan3A_62, %scan3A_63 : i32
      %scan3A_65 = arith.constant 1 : i32
      scf.for %scan3A_68 = %scan3A_62 to %scan3A_64 step %scan3A_65  : i32 {
        %swap3A = arith.constant 0 : i32
        %swap3A_69 = arith.index_cast %swap3A : i32 to index
        %swap3A_70 = arith.index_cast %scan3A_68 : i32 to index
        %swap3A_71 = arith.constant 0 : index
        %swap3A_72 = tpu.vector_load %arg7[%swap3A_69, %swap3A_70, %swap3A_71] {strides = array<i32>} : memref<2x128x128xf32, #tpu.memory_space<vmem>>, vector<1x1x16xf32>,
        %swap3A_73 = vector.shape_cast %swap3A_72 : vector<1x1x16xf32> to vector<16xf32>
        %swap3A_74 = vector.shape_cast %broadcast_in_dim3A_1 : vector<16xf32> to vector<1x1x16xf32>
        tpu.vector_store %arg7[%swap3A_69, %swap3A_70, %swap3A_71], %swap3A_74 {strides = array<i32>} : memref<2x128x128xf32, #tpu.memory_space<vmem>>, vector<1x1x16xf32>,
        %swap3A_75 = arith.constant 0 : i32
        %swap3A_76 = arith.index_cast %swap3A_75 : i32 to index
        %swap3A_77 = arith.index_cast %scan3A_68 : i32 to index
        %swap3A_78 = arith.constant 16 : index
        %swap3A_79 = tpu.vector_load %arg7[%swap3A_76, %swap3A_77, %swap3A_78] {strides = array<i32>} : memref<2x128x128xf32, #tpu.memory_space<vmem>>, vector<1x1x16xf32>,
        %swap3A_80 = vector.shape_cast %swap3A_79 : vector<1x1x16xf32> to vector<16xf32>
        %swap3A_81 = vector.shape_cast %broadcast_in_dim3A_1 : vector<16xf32> to vector<1x1x16xf32>
        tpu.vector_store %arg7[%swap3A_76, %swap3A_77, %swap3A_78], %swap3A_81 {strides = array<i32>} : memref<2x128x128xf32, #tpu.memory_space<vmem>>, vector<1x1x16xf32>,
        %swap3A_82 = arith.constant 0 : i32
        %swap3A_83 = arith.index_cast %swap3A_82 : i32 to index
        %swap3A_84 = arith.index_cast %scan3A_68 : i32 to index
        %swap3A_85 = arith.constant 32 : index
        %swap3A_86 = tpu.vector_load %arg7[%swap3A_83, %swap3A_84, %swap3A_85] {strides = array<i32>} : memref<2x128x128xf32, #tpu.memory_space<vmem>>, vector<1x1x16xf32>,
        %swap3A_87 = vector.shape_cast %swap3A_86 : vector<1x1x16xf32> to vector<16xf32>
        %swap3A_88 = vector.shape_cast %broadcast_in_dim3A_1 : vector<16xf32> to vector<1x1x16xf32>
        tpu.vector_store %arg7[%swap3A_83, %swap3A_84, %swap3A_85], %swap3A_88 {strides = array<i32>} : memref<2x128x128xf32, #tpu.memory_space<vmem>>, vector<1x1x16xf32>,
        %swap3A_89 = arith.constant 0 : i32
        %swap3A_90 = arith.index_cast %swap3A_89 : i32 to index
        %swap3A_91 = arith.index_cast %scan3A_68 : i32 to index
        %swap3A_92 = arith.constant 48 : index
        %swap3A_93 = tpu.vector_load %arg7[%swap3A_90, %swap3A_91, %swap3A_92] {strides = array<i32>} : memref<2x128x128xf32, #tpu.memory_space<vmem>>, vector<1x1x16xf32>,
        %swap3A_94 = vector.shape_cast %swap3A_93 : vector<1x1x16xf32> to vector<16xf32>
        %swap3A_95 = vector.shape_cast %broadcast_in_dim3A_1 : vector<16xf32> to vector<1x1x16xf32>
        tpu.vector_store %arg7[%swap3A_90, %swap3A_91, %swap3A_92], %swap3A_95 {strides = array<i32>} : memref<2x128x128xf32, #tpu.memory_space<vmem>>, vector<1x1x16xf32>,
        %swap3A_96 = arith.constant 0 : i32
        %swap3A_97 = arith.index_cast %swap3A_96 : i32 to index
        %swap3A_98 = arith.index_cast %scan3A_68 : i32 to index
        %swap3A_99 = arith.constant 64 : index
        %swap3A_100 = tpu.vector_load %arg7[%swap3A_97, %swap3A_98, %swap3A_99] {strides = array<i32>} : memref<2x128x128xf32, #tpu.memory_space<vmem>>, vector<1x1x16xf32>,
        %swap3A_101 = vector.shape_cast %swap3A_100 : vector<1x1x16xf32> to vector<16xf32>
        %swap3A_102 = vector.shape_cast %broadcast_in_dim3A_1 : vector<16xf32> to vector<1x1x16xf32>
        tpu.vector_store %arg7[%swap3A_97, %swap3A_98, %swap3A_99], %swap3A_102 {strides = array<i32>} : memref<2x128x128xf32, #tpu.memory_space<vmem>>, vector<1x1x16xf32>,
        %swap3A_103 = arith.constant 0 : i32
        %swap3A_104 = arith.index_cast %swap3A_103 : i32 to index
        %swap3A_105 = arith.index_cast %scan3A_68 : i32 to index
        %swap3A_106 = arith.constant 80 : index
        %swap3A_107 = tpu.vector_load %arg7[%swap3A_104, %swap3A_105, %swap3A_106] {strides = array<i32>} : memref<2x128x128xf32, #tpu.memory_space<vmem>>, vector<1x1x16xf32>,
        %swap3A_108 = vector.shape_cast %swap3A_107 : vector<1x1x16xf32> to vector<16xf32>
        %swap3A_109 = vector.shape_cast %broadcast_in_dim3A_1 : vector<16xf32> to vector<1x1x16xf32>
        tpu.vector_store %arg7[%swap3A_104, %swap3A_105, %swap3A_106], %swap3A_109 {strides = array<i32>} : memref<2x128x128xf32, #tpu.memory_space<vmem>>, vector<1x1x16xf32>,
        %swap3A_110 = arith.constant 0 : i32
        %swap3A_111 = arith.index_cast %swap3A_110 : i32 to index
        %swap3A_112 = arith.index_cast %scan3A_68 : i32 to index
        %swap3A_113 = arith.constant 96 : index
        %swap3A_114 = tpu.vector_load %arg7[%swap3A_111, %swap3A_112, %swap3A_113] {strides = array<i32>} : memref<2x128x128xf32, #tpu.memory_space<vmem>>, vector<1x1x16xf32>,
        %swap3A_115 = vector.shape_cast %swap3A_114 : vector<1x1x16xf32> to vector<16xf32>
        %swap3A_116 = vector.shape_cast %broadcast_in_dim3A_1 : vector<16xf32> to vector<1x1x16xf32>
        tpu.vector_store %arg7[%swap3A_111, %swap3A_112, %swap3A_113], %swap3A_116 {strides = array<i32>} : memref<2x128x128xf32, #tpu.memory_space<vmem>>, vector<1x1x16xf32>,
        %swap3A_117 = arith.constant 0 : i32
        %swap3A_118 = arith.index_cast %swap3A_117 : i32 to index
        %swap3A_119 = arith.index_cast %scan3A_68 : i32 to index
        %swap3A_120 = arith.constant 112 : index
        %swap3A_121 = tpu.vector_load %arg7[%swap3A_118, %swap3A_119, %swap3A_120] {strides = array<i32>} : memref<2x128x128xf32, #tpu.memory_space<vmem>>, vector<1x1x16xf32>,
        %swap3A_122 = vector.shape_cast %swap3A_121 : vector<1x1x16xf32> to vector<16xf32>
        %swap3A_123 = vector.shape_cast %broadcast_in_dim3A_1 : vector<16xf32> to vector<1x1x16xf32>
        tpu.vector_store %arg7[%swap3A_118, %swap3A_119, %swap3A_120], %swap3A_123 {strides = array<i32>} : memref<2x128x128xf32, #tpu.memory_space<vmem>>, vector<1x1x16xf32>,
        %jit3A = arith.constant 128 : i32
        %eq3A_124 = arith.constant 0 : i32
        %eq3A_125 = arith.cmpi eq, %jit3A, %eq3A_124 : i32
        %jit3A_126 = arith.constant 1 : i32
        %select_n3A = arith.select %eq3A_125, %jit3A_126, %jit3A : i32
        %rem3A = arith.remsi %scan3A_68, %select_n3A : i32
        %ne3A = arith.constant 0 : i32
        %ne3A_127 = arith.cmpi ne, %rem3A, %ne3A : i32
        %lt3A = arith.constant 0 : i32
        %lt3A_128 = arith.cmpi slt, %rem3A, %lt3A : i32
        %lt3A_129 = arith.constant 0 : i32
        %lt3A_130 = arith.cmpi slt, %select_n3A, %lt3A_129 : i32
        %ne3A_131 = arith.xori %lt3A_128, %lt3A_130 : i1
        %and3A = arith.andi %ne3A_131, %ne3A_127 : i1
        %add3A_132 = arith.addi %rem3A, %select_n3A : i32
        %select_n3A_133 = arith.select %and3A, %add3A_132, %rem3A : i32
        %swap3A_134 = arith.index_cast %select_n3A_133 : i32 to index
        %swap3A_135 = arith.constant 0 : index
        %swap3A_136 = tpu.vector_load %arg8[%swap3A_134, %swap3A_135] {strides = array<i32>} : memref<128x16xf32, #tpu.memory_space<vmem>>, vector<1x16xf32>,
        %swap3A_137 = vector.shape_cast %swap3A_136 : vector<1x16xf32> to vector<16xf32>
        %swap3A_138 = vector.shape_cast %broadcast_in_dim3A_1 : vector<16xf32> to vector<1x16xf32>
        tpu.vector_store %arg8[%swap3A_134, %swap3A_135], %swap3A_138 {strides = array<i32>} : memref<128x16xf32, #tpu.memory_space<vmem>>, vector<1x16xf32>,
      }
      %scan3A_66 = arith.constant 72 : i32
      %run_scoped3A_67 = arith.constant 0 : i32
      "tpu.region"() ({
        %run_scoped3A_68 = tpu.sem_alloc : memref<!tpu.dma_semaphore, #tpu.memory_space<semaphore_mem>>
        %dma_start3A_69 = arith.constant 0 : i32
        %dma_start3A_70 = arith.constant 0 : i32
        %dma_start3A_71 = tpu.memref_slice %arg7[%run_scoped3A_67, %dma_start3A_69, %dma_start3A_70] : memref<2x128x128xf32, #tpu.memory_space<vmem>> -> memref<1x72x128xf32, #tpu.memory_space<vmem>>
        %dma_start3A_72 = tpu.memref_squeeze %dma_start3A_71 : memref<1x72x128xf32, #tpu.memory_space<vmem>> -> memref<72x128xf32, #tpu.memory_space<vmem>>
        %dma_start3A_73 = arith.constant 0 : i32
        %dma_start3A_74 = arith.constant 0 : i32
        %dma_start3A_75 = tpu.memref_slice %arg7[%run_scoped3A_67, %dma_start3A_73, %dma_start3A_74] : memref<2x128x128xf32, #tpu.memory_space<vmem>> -> memref<1x72x128xf32, #tpu.memory_space<vmem>>
        %dma_start3A_76 = tpu.memref_squeeze %dma_start3A_75 : memref<1x72x128xf32, #tpu.memory_space<vmem>> -> memref<72x128xf32, #tpu.memory_space<vmem>>
        tpu.enqueue_dma source(%dma_start3A_76 : memref<72x128xf32, #tpu.memory_space<vmem>>) target(%arg9 : memref<72x128xf32, #tpu.memory_space<vmem_shared>>) target_semaphore(%run_scoped3A_68 : memref<!tpu.dma_semaphore, #tpu.memory_space<semaphore_mem>>)
        %dma_wait3A_77 = arith.constant 0 : i32
        %dma_wait3A_78 = arith.constant 0 : i32
        %dma_wait3A_79 = tpu.memref_slice %arg7[%run_scoped3A_67, %dma_wait3A_77, %dma_wait3A_78] : memref<2x128x128xf32, #tpu.memory_space<vmem>> -> memref<1x72x128xf32, #tpu.memory_space<vmem>>
        %dma_wait3A_80 = tpu.memref_squeeze %dma_wait3A_79 : memref<1x72x128xf32, #tpu.memory_space<vmem>> -> memref<72x128xf32, #tpu.memory_space<vmem>>
        %dma_wait3A_81 = arith.constant 0 : i32
        %dma_wait3A_82 = arith.constant 0 : i32
        %dma_wait3A_83 = tpu.memref_slice %arg7[%run_scoped3A_67, %dma_wait3A_81, %dma_wait3A_82] : memref<2x128x128xf32, #tpu.memory_space<vmem>> -> memref<1x72x128xf32, #tpu.memory_space<vmem>>
        %dma_wait3A_84 = tpu.memref_squeeze %dma_wait3A_83 : memref<1x72x128xf32, #tpu.memory_space<vmem>> -> memref<72x128xf32, #tpu.memory_space<vmem>>
        tpu.wait_dma2 semaphore(%run_scoped3A_68 : memref<!tpu.dma_semaphore, #tpu.memory_space<semaphore_mem>>) src(%dma_wait3A_84 : memref<72x128xf32, #tpu.memory_space<vmem>>) dst(%arg9 : memref<72x128xf32, #tpu.memory_space<vmem_shared>>)
        tpu.yield
      }) : () -> ()
      "tpu.region"() ({
        %run_scoped3A_68 = tpu.sem_alloc : memref<!tpu.dma_semaphore, #tpu.memory_space<semaphore_mem>>
        %dma_start3A_69 = arith.constant 0 : i32
        %dma_start3A_70 = arith.constant 0 : i32
        %dma_start3A_71 = tpu.memref_slice %arg8[%dma_start3A_69, %dma_start3A_70] : memref<128x16xf32, #tpu.memory_space<vmem>> -> memref<72x16xf32, #tpu.memory_space<vmem>>
        %dma_start3A_72 = arith.constant 0 : i32
        %dma_start3A_73 = arith.constant 0 : i32
        %dma_start3A_74 = tpu.memref_slice %arg8[%dma_start3A_72, %dma_start3A_73] : memref<128x16xf32, #tpu.memory_space<vmem>> -> memref<72x16xf32, #tpu.memory_space<vmem>>
        tpu.enqueue_dma source(%dma_start3A_74 : memref<72x16xf32, #tpu.memory_space<vmem>>) target(%arg10 : memref<72x16xf32, #tpu.memory_space<vmem_shared>>) target_semaphore(%run_scoped3A_68 : memref<!tpu.dma_semaphore, #tpu.memory_space<semaphore_mem>>)
        %dma_wait3A_75 = arith.constant 0 : i32
        %dma_wait3A_76 = arith.constant 0 : i32
        %dma_wait3A_77 = tpu.memref_slice %arg8[%dma_wait3A_75, %dma_wait3A_76] : memref<128x16xf32, #tpu.memory_space<vmem>> -> memref<72x16xf32, #tpu.memory_space<vmem>>
        %dma_wait3A_78 = arith.constant 0 : i32
        %dma_wait3A_79 = arith.constant 0 : i32
        %dma_wait3A_80 = tpu.memref_slice %arg8[%dma_wait3A_78, %dma_wait3A_79] : memref<128x16xf32, #tpu.memory_space<vmem>> -> memref<72x16xf32, #tpu.memory_space<vmem>>
        tpu.wait_dma2 semaphore(%run_scoped3A_68 : memref<!tpu.dma_semaphore, #tpu.memory_space<semaphore_mem>>) src(%dma_wait3A_80 : memref<72x16xf32, #tpu.memory_space<vmem>>) dst(%arg10 : memref<72x16xf32, #tpu.memory_space<vmem_shared>>)
        tpu.yield
      }) : () -> ()
    } else {
    }
    %scan3A = arith.constant 0 : i32
    %scan3A_6 = arith.constant 0 : i32
    %scan3A_7 = arith.constant 128 : i32
    %scan3A_8 = arith.addi %scan3A_6, %scan3A_7 : i32
    %scan3A_9 = arith.constant 1 : i32
    scf.for %scan3A_61 = %scan3A_6 to %scan3A_8 step %scan3A_9  : i32 {
      %swap3A = arith.index_cast %scan3A_61 : i32 to index
      %swap3A_62 = arith.constant 0 : index
      %swap3A_63 = tpu.vector_load %arg8[%swap3A, %swap3A_62] {strides = array<i32>} : memref<128x16xf32, #tpu.memory_space<vmem>>, vector<1x16xf32>,
      %swap3A_64 = vector.shape_cast %swap3A_63 : vector<1x16xf32> to vector<16xf32>
      %swap3A_65 = vector.shape_cast %broadcast_in_dim3A_3 : vector<16xf32> to vector<1x16xf32>
      tpu.vector_store %arg8[%swap3A, %swap3A_62], %swap3A_65 {strides = array<i32>} : memref<128x16xf32, #tpu.memory_space<vmem>>, vector<1x16xf32>,
    }
    %scan3A_10 = arith.constant 128 : i32
    %barrier3A = arith.constant 0 : index
    tpu.barrier barrier_id(%barrier3A)
    %mul3A_11 = arith.constant 7 : i32
    %mul3A_12 = arith.muli %add3A, %mul3A_11 : i32
    %add3A_13 = arith.constant 0 : i32
    %add3A_14 = arith.addi %mul3A_12, %add3A_13 : i32
    %mul3A_15 = arith.constant 128 : i32
    %mul3A_16 = arith.muli %add3A_14, %mul3A_15 : i32
    %add3A_17 = arith.constant 71328 : i32
    %add3A_18 = arith.addi %add3A_17, %mul3A_16 : i32
    %dma_start3A = arith.constant 0 : i32
    %dma_start3A_19 = arith.constant 0 : i32
    %dma_start3A_20 = arith.constant 0 : i32
    %dma_start3A_21 = tpu.memref_slice %arg7[%dma_start3A, %dma_start3A_19, %dma_start3A_20] : memref<2x128x128xf32, #tpu.memory_space<vmem>> -> memref<1x128x128xf32, #tpu.memory_space<vmem>>
    %dma_start3A_22 = tpu.memref_squeeze %dma_start3A_21 : memref<1x128x128xf32, #tpu.memory_space<vmem>> -> memref<128x128xf32, #tpu.memory_space<vmem>>
    %dma_start3A_23 = arith.constant 0 : i32
    %dma_start3A_24 = tpu.memref_slice %arg2[%add3A_18, %dma_start3A_23] : memref<100000x128xf32, #tpu.memory_space<hbm>> -> memref<128x128xf32, #tpu.memory_space<hbm>>
    %dma_start3A_25 = arith.constant 0 : i32
    %dma_start3A_26 = arith.constant 0 : i32
    %dma_start3A_27 = tpu.memref_slice %arg7[%dma_start3A, %dma_start3A_25, %dma_start3A_26] : memref<2x128x128xf32, #tpu.memory_space<vmem>> -> memref<1x128x128xf32, #tpu.memory_space<vmem>>
    %dma_start3A_28 = tpu.memref_squeeze %dma_start3A_27 : memref<1x128x128xf32, #tpu.memory_space<vmem>> -> memref<128x128xf32, #tpu.memory_space<vmem>>
    %dma_start3A_29 = arith.constant 0 : i32
    %dma_start3A_30 = tpu.memref_slice %arg2[%add3A_18, %dma_start3A_29] : memref<100000x128xf32, #tpu.memory_space<hbm>> -> memref<128x128xf32, #tpu.memory_space<hbm>>
    tpu.enqueue_dma source(%dma_start3A_30 : memref<128x128xf32, #tpu.memory_space<hbm>>) target(%dma_start3A_28 : memref<128x128xf32, #tpu.memory_space<vmem>>) target_semaphore(%arg11 : memref<!tpu.dma_semaphore, #tpu.memory_space<semaphore_mem>>)
    %scan3A_31 = arith.constant 0 : i32
    %scan3A_32 = arith.constant 0 : i32
    %scan3A_33 = arith.constant 3 : i32
    %scan3A_34 = arith.addi %scan3A_32, %scan3A_33 : i32
    %scan3A_35 = arith.constant 1 : i32
    scf.for %scan3A_61 = %scan3A_32 to %scan3A_34 step %scan3A_35  : i32 {
      %mul3A_62 = arith.constant 2 : i32
      %mul3A_63 = arith.muli %scan3A_61, %mul3A_62 : i32
      %dma_wait3A_64 = arith.constant 0 : i32
      %dma_wait3A_65 = arith.constant 0 : i32
      %dma_wait3A_66 = arith.constant 0 : i32
      %dma_wait3A_67 = tpu.memref_slice %arg7[%dma_wait3A_64, %dma_wait3A_65, %dma_wait3A_66] : memref<2x128x128xf32, #tpu.memory_space<vmem>> -> memref<1x128x128xf32, #tpu.memory_space<vmem>>
      %dma_wait3A_68 = tpu.memref_squeeze %dma_wait3A_67 : memref<1x128x128xf32, #tpu.memory_space<vmem>> -> memref<128x128xf32, #tpu.memory_space<vmem>>
      %dma_wait3A_69 = arith.constant 0 : i32
      %dma_wait3A_70 = arith.constant 0 : i32
      %dma_wait3A_71 = tpu.memref_slice %arg2[%dma_wait3A_69, %dma_wait3A_70] : memref<100000x128xf32, #tpu.memory_space<hbm>> -> memref<128x128xf32, #tpu.memory_space<hbm>>
      %dma_wait3A_72 = arith.constant 0 : i32
      %dma_wait3A_73 = arith.constant 0 : i32
      %dma_wait3A_74 = tpu.memref_slice %arg7[%dma_wait3A_64, %dma_wait3A_72, %dma_wait3A_73] : memref<2x128x128xf32, #tpu.memory_space<vmem>> -> memref<1x128x128xf32, #tpu.memory_space<vmem>>
      %dma_wait3A_75 = tpu.memref_squeeze %dma_wait3A_74 : memref<1x128x128xf32, #tpu.memory_space<vmem>> -> memref<128x128xf32, #tpu.memory_space<vmem>>
      %dma_wait3A_76 = arith.constant 0 : i32
      %dma_wait3A_77 = arith.constant 0 : i32
      %dma_wait3A_78 = tpu.memref_slice %arg2[%dma_wait3A_76, %dma_wait3A_77] : memref<100000x128xf32, #tpu.memory_space<hbm>> -> memref<128x128xf32, #tpu.memory_space<hbm>>
      tpu.wait_dma2 semaphore(%arg11 : memref<!tpu.dma_semaphore, #tpu.memory_space<semaphore_mem>>) src(%dma_wait3A_78 : memref<128x128xf32, #tpu.memory_space<hbm>>) dst(%dma_wait3A_75 : memref<128x128xf32, #tpu.memory_space<vmem>>)
      %add3A_79 = arith.constant 1 : i32
      %add3A_80 = arith.addi %mul3A_63, %add3A_79 : i32
      %mul3A_81 = arith.constant 7 : i32
      %mul3A_82 = arith.muli %add3A, %mul3A_81 : i32
      %add3A_83 = arith.addi %mul3A_82, %add3A_80 : i32
      %mul3A_84 = arith.constant 128 : i32
      %mul3A_85 = arith.muli %add3A_83, %mul3A_84 : i32
      %add3A_86 = arith.constant 71328 : i32
      %add3A_87 = arith.addi %add3A_86, %mul3A_85 : i32
      %dma_start3A_88 = arith.constant 1 : i32
      %dma_start3A_89 = arith.constant 0 : i32
      %dma_start3A_90 = arith.constant 0 : i32
      %dma_start3A_91 = tpu.memref_slice %arg7[%dma_start3A_88, %dma_start3A_89, %dma_start3A_90] : memref<2x128x128xf32, #tpu.memory_space<vmem>> -> memref<1x128x128xf32, #tpu.memory_space<vmem>>
      %dma_start3A_92 = tpu.memref_squeeze %dma_start3A_91 : memref<1x128x128xf32, #tpu.memory_space<vmem>> -> memref<128x128xf32, #tpu.memory_space<vmem>>
      %dma_start3A_93 = arith.constant 0 : i32
      %dma_start3A_94 = tpu.memref_slice %arg2[%add3A_87, %dma_start3A_93] : memref<100000x128xf32, #tpu.memory_space<hbm>> -> memref<128x128xf32, #tpu.memory_space<hbm>>
      %dma_start3A_95 = arith.constant 0 : i32
      %dma_start3A_96 = arith.constant 0 : i32
      %dma_start3A_97 = tpu.memref_slice %arg7[%dma_start3A_88, %dma_start3A_95, %dma_start3A_96] : memref<2x128x128xf32, #tpu.memory_space<vmem>> -> memref<1x128x128xf32, #tpu.memory_space<vmem>>
      %dma_start3A_98 = tpu.memref_squeeze %dma_start3A_97 : memref<1x128x128xf32, #tpu.memory_space<vmem>> -> memref<128x128xf32, #tpu.memory_space<vmem>>
      %dma_start3A_99 = arith.constant 0 : i32
      %dma_start3A_100 = tpu.memref_slice %arg2[%add3A_87, %dma_start3A_99] : memref<100000x128xf32, #tpu.memory_space<hbm>> -> memref<128x128xf32, #tpu.memory_space<hbm>>
      tpu.enqueue_dma source(%dma_start3A_100 : memref<128x128xf32, #tpu.memory_space<hbm>>) target(%dma_start3A_98 : memref<128x128xf32, #tpu.memory_space<vmem>>) target_semaphore(%arg12 : memref<!tpu.dma_semaphore, #tpu.memory_space<semaphore_mem>>)
      %run_scoped3A_101 = arith.constant 0 : i32
      %run_scoped3A_102 = arith.constant 0 : i32
      "tpu.region"() ({
        %run_scoped3A_146 = tpu.sem_alloc : memref<!tpu.dma_semaphore, #tpu.memory_space<semaphore_mem>>
        %dma_start3A_147 = arith.constant 0 : i32
        %dma_start3A_148 = arith.constant 0 : i32
        %dma_start3A_149 = tpu.memref_slice %arg7[%run_scoped3A_101, %dma_start3A_147, %dma_start3A_148] : memref<2x128x128xf32, #tpu.memory_space<vmem>> -> memref<1x128x128xf32, #tpu.memory_space<vmem>>
        %dma_start3A_150 = tpu.memref_squeeze %dma_start3A_149 : memref<1x128x128xf32, #tpu.memory_space<vmem>> -> memref<128x128xf32, #tpu.memory_space<vmem>>
        %dma_start3A_151 = arith.constant 0 : i32
        %dma_start3A_152 = tpu.memref_slice %arg6[%run_scoped3A_102, %mul3A_63, %dma_start3A_151] : memref<1x7x128xi32, #tpu.memory_space<vmem>> -> memref<1x1x128xi32, #tpu.memory_space<vmem>>
        %dma_start3A_153 = tpu.memref_squeeze %dma_start3A_152 : memref<1x1x128xi32, #tpu.memory_space<vmem>> -> memref<128xi32, #tpu.memory_space<vmem>>
        %dma_start3A_154 = arith.constant 0 : i32
        %dma_start3A_155 = arith.constant 0 : i32
        %dma_start3A_156 = tpu.memref_slice %arg9[%dma_start3A_154, %dma_start3A_155] : memref<72x128xf32, #tpu.memory_space<vmem_shared>> -> memref<72x128xf32, #tpu.memory_space<vmem_shared>>
        tpu.enqueue_indirect_dma source(%dma_start3A_150 : memref<128x128xf32, #tpu.memory_space<vmem>>) target(%dma_start3A_156 : memref<72x128xf32, #tpu.memory_space<vmem_shared>>) offsets(%dma_start3A_153 : memref<128xi32, #tpu.memory_space<vmem>>) semaphore(%run_scoped3A_146 : memref<!tpu.dma_semaphore, #tpu.memory_space<semaphore_mem>>) {add = true}
        %dma_wait3A_157 = arith.constant 0 : i32
        %dma_wait3A_158 = arith.constant 0 : i32
        %dma_wait3A_159 = tpu.memref_slice %arg7[%run_scoped3A_101, %dma_wait3A_157, %dma_wait3A_158] : memref<2x128x128xf32, #tpu.memory_space<vmem>> -> memref<1x128x128xf32, #tpu.memory_space<vmem>>
        %dma_wait3A_160 = tpu.memref_squeeze %dma_wait3A_159 : memref<1x128x128xf32, #tpu.memory_space<vmem>> -> memref<128x128xf32, #tpu.memory_space<vmem>>
        %dma_wait3A_161 = arith.constant 0 : i32
        %dma_wait3A_162 = tpu.memref_slice %arg6[%run_scoped3A_102, %mul3A_63, %dma_wait3A_161] : memref<1x7x128xi32, #tpu.memory_space<vmem>> -> memref<1x1x128xi32, #tpu.memory_space<vmem>>
        %dma_wait3A_163 = tpu.memref_squeeze %dma_wait3A_162 : memref<1x1x128xi32, #tpu.memory_space<vmem>> -> memref<128xi32, #tpu.memory_space<vmem>>
        %dma_wait3A_164 = arith.constant 0 : i32
        %dma_wait3A_165 = arith.constant 0 : i32
        %dma_wait3A_166 = tpu.memref_slice %arg9[%dma_wait3A_164, %dma_wait3A_165] : memref<72x128xf32, #tpu.memory_space<vmem_shared>> -> memref<72x128xf32, #tpu.memory_space<vmem_shared>>
        tpu.wait_indirect_dma semaphore(%run_scoped3A_146 : memref<!tpu.dma_semaphore, #tpu.memory_space<semaphore_mem>>) src(%dma_wait3A_160 : memref<128x128xf32, #tpu.memory_space<vmem>>) dst(%dma_wait3A_166 : memref<72x128xf32, #tpu.memory_space<vmem_shared>>)
        tpu.yield
      }) : () -> ()
      %run_scoped3A_103 = arith.constant 0 : i32
      "tpu.region"() ({
        %run_scoped3A_146 = tpu.sem_alloc : memref<!tpu.dma_semaphore, #tpu.memory_space<semaphore_mem>>
        %dma_start3A_147 = arith.constant 0 : i32
        %dma_start3A_148 = tpu.memref_slice %arg6[%run_scoped3A_103, %mul3A_63, %dma_start3A_147] : memref<1x7x128xi32, #tpu.memory_space<vmem>> -> memref<1x1x128xi32, #tpu.memory_space<vmem>>
        %dma_start3A_149 = tpu.memref_squeeze %dma_start3A_148 : memref<1x1x128xi32, #tpu.memory_space<vmem>> -> memref<128xi32, #tpu.memory_space<vmem>>
        %dma_start3A_150 = arith.constant 0 : i32
        %dma_start3A_151 = arith.constant 0 : i32
        %dma_start3A_152 = tpu.memref_slice %arg10[%dma_start3A_150, %dma_start3A_151] : memref<72x16xf32, #tpu.memory_space<vmem_shared>> -> memref<72x16xf32, #tpu.memory_space<vmem_shared>>
        tpu.enqueue_indirect_dma source(%arg8 : memref<128x16xf32, #tpu.memory_space<vmem>>) target(%dma_start3A_152 : memref<72x16xf32, #tpu.memory_space<vmem_shared>>) offsets(%dma_start3A_149 : memref<128xi32, #tpu.memory_space<vmem>>) semaphore(%run_scoped3A_146 : memref<!tpu.dma_semaphore, #tpu.memory_space<semaphore_mem>>) {add = true}
        %dma_wait3A_153 = arith.constant 0 : i32
        %dma_wait3A_154 = tpu.memref_slice %arg6[%run_scoped3A_103, %mul3A_63, %dma_wait3A_153] : memref<1x7x128xi32, #tpu.memory_space<vmem>> -> memref<1x1x128xi32, #tpu.memory_space<vmem>>
        %dma_wait3A_155 = tpu.memref_squeeze %dma_wait3A_154 : memref<1x1x128xi32, #tpu.memory_space<vmem>> -> memref<128xi32, #tpu.memory_space<vmem>>
        %dma_wait3A_156 = arith.constant 0 : i32
        %dma_wait3A_157 = arith.constant 0 : i32
        %dma_wait3A_158 = tpu.memref_slice %arg10[%dma_wait3A_156, %dma_wait3A_157] : memref<72x16xf32, #tpu.memory_space<vmem_shared>> -> memref<72x16xf32, #tpu.memory_space<vmem_shared>>
        tpu.wait_indirect_dma semaphore(%run_scoped3A_146 : memref<!tpu.dma_semaphore, #tpu.memory_space<semaphore_mem>>) src(%arg8 : memref<128x16xf32, #tpu.memory_space<vmem>>) dst(%dma_wait3A_158 : memref<72x16xf32, #tpu.memory_space<vmem_shared>>)
        tpu.yield
      }) : () -> ()
      %dma_wait3A_104 = arith.constant 1 : i32
      %dma_wait3A_105 = arith.constant 0 : i32
      %dma_wait3A_106 = arith.constant 0 : i32
      %dma_wait3A_107 = tpu.memref_slice %arg7[%dma_wait3A_104, %dma_wait3A_105, %dma_wait3A_106] : memref<2x128x128xf32, #tpu.memory_space<vmem>> -> memref<1x128x128xf32, #tpu.memory_space<vmem>>
      %dma_wait3A_108 = tpu.memref_squeeze %dma_wait3A_107 : memref<1x128x128xf32, #tpu.memory_space<vmem>> -> memref<128x128xf32, #tpu.memory_space<vmem>>
      %dma_wait3A_109 = arith.constant 0 : i32
      %dma_wait3A_110 = arith.constant 0 : i32
      %dma_wait3A_111 = tpu.memref_slice %arg2[%dma_wait3A_109, %dma_wait3A_110] : memref<100000x128xf32, #tpu.memory_space<hbm>> -> memref<128x128xf32, #tpu.memory_space<hbm>>
      %dma_wait3A_112 = arith.constant 0 : i32
      %dma_wait3A_113 = arith.constant 0 : i32
      %dma_wait3A_114 = tpu.memref_slice %arg7[%dma_wait3A_104, %dma_wait3A_112, %dma_wait3A_113] : memref<2x128x128xf32, #tpu.memory_space<vmem>> -> memref<1x128x128xf32, #tpu.memory_space<vmem>>
      %dma_wait3A_115 = tpu.memref_squeeze %dma_wait3A_114 : memref<1x128x128xf32, #tpu.memory_space<vmem>> -> memref<128x128xf32, #tpu.memory_space<vmem>>
      %dma_wait3A_116 = arith.constant 0 : i32
      %dma_wait3A_117 = arith.constant 0 : i32
      %dma_wait3A_118 = tpu.memref_slice %arg2[%dma_wait3A_116, %dma_wait3A_117] : memref<100000x128xf32, #tpu.memory_space<hbm>> -> memref<128x128xf32, #tpu.memory_space<hbm>>
      tpu.wait_dma2 semaphore(%arg12 : memref<!tpu.dma_semaphore, #tpu.memory_space<semaphore_mem>>) src(%dma_wait3A_118 : memref<128x128xf32, #tpu.memory_space<hbm>>) dst(%dma_wait3A_115 : memref<128x128xf32, #tpu.memory_space<vmem>>)
      %add3A_119 = arith.constant 2 : i32
      %add3A_120 = arith.addi %mul3A_63, %add3A_119 : i32
      %mul3A_121 = arith.constant 7 : i32
      %mul3A_122 = arith.muli %add3A, %mul3A_121 : i32
      %add3A_123 = arith.addi %mul3A_122, %add3A_120 : i32
      %mul3A_124 = arith.constant 128 : i32
      %mul3A_125 = arith.muli %add3A_123, %mul3A_124 : i32
      %add3A_126 = arith.constant 71328 : i32
      %add3A_127 = arith.addi %add3A_126, %mul3A_125 : i32
      %dma_start3A_128 = arith.constant 0 : i32
      %dma_start3A_129 = arith.constant 0 : i32
      %dma_start3A_130 = arith.constant 0 : i32
      %dma_start3A_131 = tpu.memref_slice %arg7[%dma_start3A_128, %dma_start3A_129, %dma_start3A_130] : memref<2x128x128xf32, #tpu.memory_space<vmem>> -> memref<1x128x128xf32, #tpu.memory_space<vmem>>
      %dma_start3A_132 = tpu.memref_squeeze %dma_start3A_131 : memref<1x128x128xf32, #tpu.memory_space<vmem>> -> memref<128x128xf32, #tpu.memory_space<vmem>>
      %dma_start3A_133 = arith.constant 0 : i32
      %dma_start3A_134 = tpu.memref_slice %arg2[%add3A_127, %dma_start3A_133] : memref<100000x128xf32, #tpu.memory_space<hbm>> -> memref<128x128xf32, #tpu.memory_space<hbm>>
      %dma_start3A_135 = arith.constant 0 : i32
      %dma_start3A_136 = arith.constant 0 : i32
      %dma_start3A_137 = tpu.memref_slice %arg7[%dma_start3A_128, %dma_start3A_135, %dma_start3A_136] : memref<2x128x128xf32, #tpu.memory_space<vmem>> -> memref<1x128x128xf32, #tpu.memory_space<vmem>>
      %dma_start3A_138 = tpu.memref_squeeze %dma_start3A_137 : memref<1x128x128xf32, #tpu.memory_space<vmem>> -> memref<128x128xf32, #tpu.memory_space<vmem>>
      %dma_start3A_139 = arith.constant 0 : i32
      %dma_start3A_140 = tpu.memref_slice %arg2[%add3A_127, %dma_start3A_139] : memref<100000x128xf32, #tpu.memory_space<hbm>> -> memref<128x128xf32, #tpu.memory_space<hbm>>
      tpu.enqueue_dma source(%dma_start3A_140 : memref<128x128xf32, #tpu.memory_space<hbm>>) target(%dma_start3A_138 : memref<128x128xf32, #tpu.memory_space<vmem>>) target_semaphore(%arg11 : memref<!tpu.dma_semaphore, #tpu.memory_space<semaphore_mem>>)
      %add3A_141 = arith.constant 1 : i32
      %add3A_142 = arith.addi %mul3A_63, %add3A_141 : i32
      %run_scoped3A_143 = arith.constant 1 : i32
      %run_scoped3A_144 = arith.constant 0 : i32
      "tpu.region"() ({
        %run_scoped3A_146 = tpu.sem_alloc : memref<!tpu.dma_semaphore, #tpu.memory_space<semaphore_mem>>
        %dma_start3A_147 = arith.constant 0 : i32
        %dma_start3A_148 = arith.constant 0 : i32
        %dma_start3A_149 = tpu.memref_slice %arg7[%run_scoped3A_143, %dma_start3A_147, %dma_start3A_148] : memref<2x128x128xf32, #tpu.memory_space<vmem>> -> memref<1x128x128xf32, #tpu.memory_space<vmem>>
        %dma_start3A_150 = tpu.memref_squeeze %dma_start3A_149 : memref<1x128x128xf32, #tpu.memory_space<vmem>> -> memref<128x128xf32, #tpu.memory_space<vmem>>
        %dma_start3A_151 = arith.constant 0 : i32
        %dma_start3A_152 = tpu.memref_slice %arg6[%run_scoped3A_144, %add3A_142, %dma_start3A_151] : memref<1x7x128xi32, #tpu.memory_space<vmem>> -> memref<1x1x128xi32, #tpu.memory_space<vmem>>
        %dma_start3A_153 = tpu.memref_squeeze %dma_start3A_152 : memref<1x1x128xi32, #tpu.memory_space<vmem>> -> memref<128xi32, #tpu.memory_space<vmem>>
        %dma_start3A_154 = arith.constant 0 : i32
        %dma_start3A_155 = arith.constant 0 : i32
        %dma_start3A_156 = tpu.memref_slice %arg9[%dma_start3A_154, %dma_start3A_155] : memref<72x128xf32, #tpu.memory_space<vmem_shared>> -> memref<72x128xf32, #tpu.memory_space<vmem_shared>>
        tpu.enqueue_indirect_dma source(%dma_start3A_150 : memref<128x128xf32, #tpu.memory_space<vmem>>) target(%dma_start3A_156 : memref<72x128xf32, #tpu.memory_space<vmem_shared>>) offsets(%dma_start3A_153 : memref<128xi32, #tpu.memory_space<vmem>>) semaphore(%run_scoped3A_146 : memref<!tpu.dma_semaphore, #tpu.memory_space<semaphore_mem>>) {add = true}
        %dma_wait3A_157 = arith.constant 0 : i32
        %dma_wait3A_158 = arith.constant 0 : i32
        %dma_wait3A_159 = tpu.memref_slice %arg7[%run_scoped3A_143, %dma_wait3A_157, %dma_wait3A_158] : memref<2x128x128xf32, #tpu.memory_space<vmem>> -> memref<1x128x128xf32, #tpu.memory_space<vmem>>
        %dma_wait3A_160 = tpu.memref_squeeze %dma_wait3A_159 : memref<1x128x128xf32, #tpu.memory_space<vmem>> -> memref<128x128xf32, #tpu.memory_space<vmem>>
        %dma_wait3A_161 = arith.constant 0 : i32
        %dma_wait3A_162 = tpu.memref_slice %arg6[%run_scoped3A_144, %add3A_142, %dma_wait3A_161] : memref<1x7x128xi32, #tpu.memory_space<vmem>> -> memref<1x1x128xi32, #tpu.memory_space<vmem>>
        %dma_wait3A_163 = tpu.memref_squeeze %dma_wait3A_162 : memref<1x1x128xi32, #tpu.memory_space<vmem>> -> memref<128xi32, #tpu.memory_space<vmem>>
        %dma_wait3A_164 = arith.constant 0 : i32
        %dma_wait3A_165 = arith.constant 0 : i32
        %dma_wait3A_166 = tpu.memref_slice %arg9[%dma_wait3A_164, %dma_wait3A_165] : memref<72x128xf32, #tpu.memory_space<vmem_shared>> -> memref<72x128xf32, #tpu.memory_space<vmem_shared>>
        tpu.wait_indirect_dma semaphore(%run_scoped3A_146 : memref<!tpu.dma_semaphore, #tpu.memory_space<semaphore_mem>>) src(%dma_wait3A_160 : memref<128x128xf32, #tpu.memory_space<vmem>>) dst(%dma_wait3A_166 : memref<72x128xf32, #tpu.memory_space<vmem_shared>>)
        tpu.yield
      }) : () -> ()
      %run_scoped3A_145 = arith.constant 0 : i32
      "tpu.region"() ({
        %run_scoped3A_146 = tpu.sem_alloc : memref<!tpu.dma_semaphore, #tpu.memory_space<semaphore_mem>>
        %dma_start3A_147 = arith.constant 0 : i32
        %dma_start3A_148 = tpu.memref_slice %arg6[%run_scoped3A_145, %add3A_142, %dma_start3A_147] : memref<1x7x128xi32, #tpu.memory_space<vmem>> -> memref<1x1x128xi32, #tpu.memory_space<vmem>>
        %dma_start3A_149 = tpu.memref_squeeze %dma_start3A_148 : memref<1x1x128xi32, #tpu.memory_space<vmem>> -> memref<128xi32, #tpu.memory_space<vmem>>
        %dma_start3A_150 = arith.constant 0 : i32
        %dma_start3A_151 = arith.constant 0 : i32
        %dma_start3A_152 = tpu.memref_slice %arg10[%dma_start3A_150, %dma_start3A_151] : memref<72x16xf32, #tpu.memory_space<vmem_shared>> -> memref<72x16xf32, #tpu.memory_space<vmem_shared>>
        tpu.enqueue_indirect_dma source(%arg8 : memref<128x16xf32, #tpu.memory_space<vmem>>) target(%dma_start3A_152 : memref<72x16xf32, #tpu.memory_space<vmem_shared>>) offsets(%dma_start3A_149 : memref<128xi32, #tpu.memory_space<vmem>>) semaphore(%run_scoped3A_146 : memref<!tpu.dma_semaphore, #tpu.memory_space<semaphore_mem>>) {add = true}
        %dma_wait3A_153 = arith.constant 0 : i32
        %dma_wait3A_154 = tpu.memref_slice %arg6[%run_scoped3A_145, %add3A_142, %dma_wait3A_153] : memref<1x7x128xi32, #tpu.memory_space<vmem>> -> memref<1x1x128xi32, #tpu.memory_space<vmem>>
        %dma_wait3A_155 = tpu.memref_squeeze %dma_wait3A_154 : memref<1x1x128xi32, #tpu.memory_space<vmem>> -> memref<128xi32, #tpu.memory_space<vmem>>
        %dma_wait3A_156 = arith.constant 0 : i32
        %dma_wait3A_157 = arith.constant 0 : i32
        %dma_wait3A_158 = tpu.memref_slice %arg10[%dma_wait3A_156, %dma_wait3A_157] : memref<72x16xf32, #tpu.memory_space<vmem_shared>> -> memref<72x16xf32, #tpu.memory_space<vmem_shared>>
        tpu.wait_indirect_dma semaphore(%run_scoped3A_146 : memref<!tpu.dma_semaphore, #tpu.memory_space<semaphore_mem>>) src(%arg8 : memref<128x16xf32, #tpu.memory_space<vmem>>) dst(%dma_wait3A_158 : memref<72x16xf32, #tpu.memory_space<vmem_shared>>)
        tpu.yield
      }) : () -> ()
    }
    %scan3A_36 = arith.constant 3 : i32
    %dma_wait3A = arith.constant 0 : i32
    %dma_wait3A_37 = arith.constant 0 : i32
    %dma_wait3A_38 = arith.constant 0 : i32
    %dma_wait3A_39 = tpu.memref_slice %arg7[%dma_wait3A, %dma_wait3A_37, %dma_wait3A_38] : memref<2x128x128xf32, #tpu.memory_space<vmem>> -> memref<1x128x128xf32, #tpu.memory_space<vmem>>
    %dma_wait3A_40 = tpu.memref_squeeze %dma_wait3A_39 : memref<1x128x128xf32, #tpu.memory_space<vmem>> -> memref<128x128xf32, #tpu.memory_space<vmem>>
    %dma_wait3A_41 = arith.constant 0 : i32
    %dma_wait3A_42 = arith.constant 0 : i32
    %dma_wait3A_43 = tpu.memref_slice %arg2[%dma_wait3A_41, %dma_wait3A_42] : memref<100000x128xf32, #tpu.memory_space<hbm>> -> memref<128x128xf32, #tpu.memory_space<hbm>>
    %dma_wait3A_44 = arith.constant 0 : i32
    %dma_wait3A_45 = arith.constant 0 : i32
    %dma_wait3A_46 = tpu.memref_slice %arg7[%dma_wait3A, %dma_wait3A_44, %dma_wait3A_45] : memref<2x128x128xf32, #tpu.memory_space<vmem>> -> memref<1x128x128xf32, #tpu.memory_space<vmem>>
    %dma_wait3A_47 = tpu.memref_squeeze %dma_wait3A_46 : memref<1x128x128xf32, #tpu.memory_space<vmem>> -> memref<128x128xf32, #tpu.memory_space<vmem>>
    %dma_wait3A_48 = arith.constant 0 : i32
    %dma_wait3A_49 = arith.constant 0 : i32
    %dma_wait3A_50 = tpu.memref_slice %arg2[%dma_wait3A_48, %dma_wait3A_49] : memref<100000x128xf32, #tpu.memory_space<hbm>> -> memref<128x128xf32, #tpu.memory_space<hbm>>
    tpu.wait_dma2 semaphore(%arg11 : memref<!tpu.dma_semaphore, #tpu.memory_space<semaphore_mem>>) src(%dma_wait3A_50 : memref<128x128xf32, #tpu.memory_space<hbm>>) dst(%dma_wait3A_47 : memref<128x128xf32, #tpu.memory_space<vmem>>)
    %run_scoped3A = arith.constant 0 : i32
    %run_scoped3A_51 = arith.constant 0 : i32
    %run_scoped3A_52 = arith.constant 6 : i32
    "tpu.region"() ({
      %run_scoped3A_61 = tpu.sem_alloc : memref<!tpu.dma_semaphore, #tpu.memory_space<semaphore_mem>>
      %dma_start3A_62 = arith.constant 0 : i32
      %dma_start3A_63 = arith.constant 0 : i32
      %dma_start3A_64 = tpu.memref_slice %arg7[%run_scoped3A, %dma_start3A_62, %dma_start3A_63] : memref<2x128x128xf32, #tpu.memory_space<vmem>> -> memref<1x128x128xf32, #tpu.memory_space<vmem>>
      %dma_start3A_65 = tpu.memref_squeeze %dma_start3A_64 : memref<1x128x128xf32, #tpu.memory_space<vmem>> -> memref<128x128xf32, #tpu.memory_space<vmem>>
      %dma_start3A_66 = arith.constant 0 : i32
      %dma_start3A_67 = tpu.memref_slice %arg6[%run_scoped3A_51, %run_scoped3A_52, %dma_start3A_66] : memref<1x7x128xi32, #tpu.memory_space<vmem>> -> memref<1x1x128xi32, #tpu.memory_space<vmem>>
      %dma_start3A_68 = tpu.memref_squeeze %dma_start3A_67 : memref<1x1x128xi32, #tpu.memory_space<vmem>> -> memref<128xi32, #tpu.memory_space<vmem>>
      %dma_start3A_69 = arith.constant 0 : i32
      %dma_start3A_70 = arith.constant 0 : i32
      %dma_start3A_71 = tpu.memref_slice %arg9[%dma_start3A_69, %dma_start3A_70] : memref<72x128xf32, #tpu.memory_space<vmem_shared>> -> memref<72x128xf32, #tpu.memory_space<vmem_shared>>
      tpu.enqueue_indirect_dma source(%dma_start3A_65 : memref<128x128xf32, #tpu.memory_space<vmem>>) target(%dma_start3A_71 : memref<72x128xf32, #tpu.memory_space<vmem_shared>>) offsets(%dma_start3A_68 : memref<128xi32, #tpu.memory_space<vmem>>) semaphore(%run_scoped3A_61 : memref<!tpu.dma_semaphore, #tpu.memory_space<semaphore_mem>>) {add = true}
      %dma_wait3A_72 = arith.constant 0 : i32
      %dma_wait3A_73 = arith.constant 0 : i32
      %dma_wait3A_74 = tpu.memref_slice %arg7[%run_scoped3A, %dma_wait3A_72, %dma_wait3A_73] : memref<2x128x128xf32, #tpu.memory_space<vmem>> -> memref<1x128x128xf32, #tpu.memory_space<vmem>>
      %dma_wait3A_75 = tpu.memref_squeeze %dma_wait3A_74 : memref<1x128x128xf32, #tpu.memory_space<vmem>> -> memref<128x128xf32, #tpu.memory_space<vmem>>
      %dma_wait3A_76 = arith.constant 0 : i32
      %dma_wait3A_77 = tpu.memref_slice %arg6[%run_scoped3A_51, %run_scoped3A_52, %dma_wait3A_76] : memref<1x7x128xi32, #tpu.memory_space<vmem>> -> memref<1x1x128xi32, #tpu.memory_space<vmem>>
      %dma_wait3A_78 = tpu.memref_squeeze %dma_wait3A_77 : memref<1x1x128xi32, #tpu.memory_space<vmem>> -> memref<128xi32, #tpu.memory_space<vmem>>
      %dma_wait3A_79 = arith.constant 0 : i32
      %dma_wait3A_80 = arith.constant 0 : i32
      %dma_wait3A_81 = tpu.memref_slice %arg9[%dma_wait3A_79, %dma_wait3A_80] : memref<72x128xf32, #tpu.memory_space<vmem_shared>> -> memref<72x128xf32, #tpu.memory_space<vmem_shared>>
      tpu.wait_indirect_dma semaphore(%run_scoped3A_61 : memref<!tpu.dma_semaphore, #tpu.memory_space<semaphore_mem>>) src(%dma_wait3A_75 : memref<128x128xf32, #tpu.memory_space<vmem>>) dst(%dma_wait3A_81 : memref<72x128xf32, #tpu.memory_space<vmem_shared>>)
      tpu.yield
    }) : () -> ()
    %run_scoped3A_53 = arith.constant 0 : i32
    %run_scoped3A_54 = arith.constant 6 : i32
    "tpu.region"() ({
      %run_scoped3A_61 = tpu.sem_alloc : memref<!tpu.dma_semaphore, #tpu.memory_space<semaphore_mem>>
      %dma_start3A_62 = arith.constant 0 : i32
      %dma_start3A_63 = tpu.memref_slice %arg6[%run_scoped3A_53, %run_scoped3A_54, %dma_start3A_62] : memref<1x7x128xi32, #tpu.memory_space<vmem>> -> memref<1x1x128xi32, #tpu.memory_space<vmem>>
      %dma_start3A_64 = tpu.memref_squeeze %dma_start3A_63 : memref<1x1x128xi32, #tpu.memory_space<vmem>> -> memref<128xi32, #tpu.memory_space<vmem>>
      %dma_start3A_65 = arith.constant 0 : i32
      %dma_start3A_66 = arith.constant 0 : i32
      %dma_start3A_67 = tpu.memref_slice %arg10[%dma_start3A_65, %dma_start3A_66] : memref<72x16xf32, #tpu.memory_space<vmem_shared>> -> memref<72x16xf32, #tpu.memory_space<vmem_shared>>
      tpu.enqueue_indirect_dma source(%arg8 : memref<128x16xf32, #tpu.memory_space<vmem>>) target(%dma_start3A_67 : memref<72x16xf32, #tpu.memory_space<vmem_shared>>) offsets(%dma_start3A_64 : memref<128xi32, #tpu.memory_space<vmem>>) semaphore(%run_scoped3A_61 : memref<!tpu.dma_semaphore, #tpu.memory_space<semaphore_mem>>) {add = true}
      %dma_wait3A_68 = arith.constant 0 : i32
      %dma_wait3A_69 = tpu.memref_slice %arg6[%run_scoped3A_53, %run_scoped3A_54, %dma_wait3A_68] : memref<1x7x128xi32, #tpu.memory_space<vmem>> -> memref<1x1x128xi32, #tpu.memory_space<vmem>>
      %dma_wait3A_70 = tpu.memref_squeeze %dma_wait3A_69 : memref<1x1x128xi32, #tpu.memory_space<vmem>> -> memref<128xi32, #tpu.memory_space<vmem>>
      %dma_wait3A_71 = arith.constant 0 : i32
      %dma_wait3A_72 = arith.constant 0 : i32
      %dma_wait3A_73 = tpu.memref_slice %arg10[%dma_wait3A_71, %dma_wait3A_72] : memref<72x16xf32, #tpu.memory_space<vmem_shared>> -> memref<72x16xf32, #tpu.memory_space<vmem_shared>>
      tpu.wait_indirect_dma semaphore(%run_scoped3A_61 : memref<!tpu.dma_semaphore, #tpu.memory_space<semaphore_mem>>) src(%arg8 : memref<128x16xf32, #tpu.memory_space<vmem>>) dst(%dma_wait3A_73 : memref<72x16xf32, #tpu.memory_space<vmem_shared>>)
      tpu.yield
    }) : () -> ()
    %barrier3A_55 = arith.constant 0 : index
    tpu.barrier barrier_id(%barrier3A_55)
    %eq3A_56 = arith.constant 0 : i32
    %eq3A_57 = arith.cmpi eq, %arg1, %eq3A_56 : i32
    %convert_element_type3A_58 = arith.extui %eq3A_57 : i1 to i32
    %cond3A_59 = arith.constant 0 : i32
    %cond3A_60 = arith.cmpi ne, %convert_element_type3A_58, %cond3A_59 : i32
    scf.if %cond3A_60 {
      "tpu.region"() ({
        %run_scoped3A_61 = tpu.sem_alloc : memref<!tpu.dma_semaphore, #tpu.memory_space<semaphore_mem>>
        %dma_start3A_62 = arith.constant 0 : i32
        %dma_start3A_63 = arith.constant 0 : i32
        %dma_start3A_64 = tpu.memref_slice %arg4[%arg0, %dma_start3A_62, %dma_start3A_63] : memref<2x72x128xf32, #tpu.memory_space<hbm>> -> memref<1x72x128xf32, #tpu.memory_space<hbm>>
        %dma_start3A_65 = tpu.memref_squeeze %dma_start3A_64 : memref<1x72x128xf32, #tpu.memory_space<hbm>> -> memref<72x128xf32, #tpu.memory_space<hbm>>
        tpu.enqueue_dma source(%arg9 : memref<72x128xf32, #tpu.memory_space<vmem_shared>>) target(%dma_start3A_65 : memref<72x128xf32, #tpu.memory_space<hbm>>) target_semaphore(%run_scoped3A_61 : memref<!tpu.dma_semaphore, #tpu.memory_space<semaphore_mem>>)
        %dma_wait3A_66 = arith.constant 0 : i32
        %dma_wait3A_67 = arith.constant 0 : i32
        %dma_wait3A_68 = tpu.memref_slice %arg4[%arg0, %dma_wait3A_66, %dma_wait3A_67] : memref<2x72x128xf32, #tpu.memory_space<hbm>> -> memref<1x72x128xf32, #tpu.memory_space<hbm>>
        %dma_wait3A_69 = tpu.memref_squeeze %dma_wait3A_68 : memref<1x72x128xf32, #tpu.memory_space<hbm>> -> memref<72x128xf32, #tpu.memory_space<hbm>>
        tpu.wait_dma2 semaphore(%run_scoped3A_61 : memref<!tpu.dma_semaphore, #tpu.memory_space<semaphore_mem>>) src(%arg9 : memref<72x128xf32, #tpu.memory_space<vmem_shared>>) dst(%dma_wait3A_69 : memref<72x128xf32, #tpu.memory_space<hbm>>)
        tpu.yield
      }) : () -> ()
      "tpu.region"() ({
        %run_scoped3A_61 = tpu.sem_alloc : memref<!tpu.dma_semaphore, #tpu.memory_space<semaphore_mem>>
        %dma_start3A_62 = arith.constant 0 : i32
        %dma_start3A_63 = arith.constant 0 : i32
        %dma_start3A_64 = tpu.memref_slice %arg5[%arg0, %dma_start3A_62, %dma_start3A_63] : memref<2x72x16xf32, #tpu.memory_space<hbm>> -> memref<1x72x16xf32, #tpu.memory_space<hbm>>
        %dma_start3A_65 = tpu.memref_squeeze %dma_start3A_64 : memref<1x72x16xf32, #tpu.memory_space<hbm>> -> memref<72x16xf32, #tpu.memory_space<hbm>>
        tpu.enqueue_dma source(%arg10 : memref<72x16xf32, #tpu.memory_space<vmem_shared>>) target(%dma_start3A_65 : memref<72x16xf32, #tpu.memory_space<hbm>>) target_semaphore(%run_scoped3A_61 : memref<!tpu.dma_semaphore, #tpu.memory_space<semaphore_mem>>)
        %dma_wait3A_66 = arith.constant 0 : i32
        %dma_wait3A_67 = arith.constant 0 : i32
        %dma_wait3A_68 = tpu.memref_slice %arg5[%arg0, %dma_wait3A_66, %dma_wait3A_67] : memref<2x72x16xf32, #tpu.memory_space<hbm>> -> memref<1x72x16xf32, #tpu.memory_space<hbm>>
        %dma_wait3A_69 = tpu.memref_squeeze %dma_wait3A_68 : memref<1x72x16xf32, #tpu.memory_space<hbm>> -> memref<72x16xf32, #tpu.memory_space<hbm>>
        tpu.wait_dma2 semaphore(%run_scoped3A_61 : memref<!tpu.dma_semaphore, #tpu.memory_space<semaphore_mem>>) src(%arg10 : memref<72x16xf32, #tpu.memory_space<vmem_shared>>) dst(%dma_wait3A_69 : memref<72x16xf32, #tpu.memory_space<hbm>>)
        tpu.yield
      }) : () -> ()
    } else {
    }
    return
  }
}

module attributes {stable_mosaic.version = 14 : i64} {
  func.func @body(%arg0: i32, %arg1: memref<1x1x17832xi32, #tpu.memory_space<vmem>>, %arg2: memref<17832x128xf32, #tpu.memory_space<vmem>>, %arg3: memref<64x128xf32, #tpu.memory_space<vmem>>, %arg4: memref<64x128xf32, #tpu.memory_space<vmem>>) attributes {dimension_semantics = [#tpu.dimension_semantics<arbitrary>], iteration_bounds = array<i64: 4>, scalar_prefetch = 0 : i64, scratch_operands = 0 : i64, tpu.core_type = #tpu.core_type<tc>, window_params = [{transform_indices = @transform_0, window_bounds = array<i64: 1, 1, 17832>}, {transform_indices = @transform_1, window_bounds = array<i64: 17832, 128>}, {pipeline_mode = #tpu.pipeline_mode<synchronous>, transform_indices = @transform_2, window_bounds = array<i64: 64, 128>}, {pipeline_mode = #tpu.pipeline_mode<synchronous>, transform_indices = @transform_3, window_bounds = array<i64: 64, 128>}]} {
    %get3A = arith.constant 0 : index
    %get3A_0 = arith.constant 0 : index
    %get3A_1 = arith.constant 0 : index
    %get3A_2 = vector.load %arg1[%get3A, %get3A_0, %get3A_1] : memref<1x1x17832xi32, #tpu.memory_space<vmem>>, vector<1x1x17832xi32>
    %get3A_3 = vector.shape_cast %get3A_2 : vector<1x1x17832xi32> to vector<1x17832xi32>
    %iota3A = tpu.iota {dimensions = array<i32: 0>} : vector<64x17832xi32>
    %broadcast_in_dim3A = vector.shape_cast %get3A_3 : vector<1x17832xi32> to vector<1x17832xi32>
    %broadcast_in_dim3A_4 = vector.broadcast %broadcast_in_dim3A : vector<1x17832xi32> to vector<64x17832xi32>
    %eq3A = arith.cmpi eq, %broadcast_in_dim3A_4, %iota3A : vector<64x17832xi32>
    %convert_element_type3A = arith.extui %eq3A : vector<64x17832xi1> to vector<64x17832xi32>
    %convert_element_type3A_5 = arith.sitofp %convert_element_type3A : vector<64x17832xi32> to vector<64x17832xf32>
    %get3A_6 = arith.constant 0 : index
    %get3A_7 = arith.constant 0 : index
    %get3A_8 = vector.load %arg2[%get3A_6, %get3A_7] : memref<17832x128xf32, #tpu.memory_space<vmem>>, vector<17832x128xf32>
    %dot_general3A = arith.constant dense<0.000000e+00> : vector<64x128xf32>
    %dot_general3A_9 = tpu.matmul %convert_element_type3A_5, %get3A_8, %dot_general3A {dimension_numbers = #tpu.dot_dimension_numbers<[1], [0], [0], [1], [0, 0, 1, 1], [], []>, transpose_lhs_hint = false} : vector<64x17832xf32>, vector<17832x128xf32>, vector<64x128xf32> -> vector<64x128xf32>
    %reduce_sum3A = arith.constant dense<0.000000e+00> : vector<64xf32>
    %reduce_sum3A_10 = vector.multi_reduction <add>, %convert_element_type3A_5, %reduce_sum3A [1] : vector<64x17832xf32> to vector<64xf32>
    %broadcast_in_dim3A_11 = vector.shape_cast %reduce_sum3A_10 : vector<64xf32> to vector<64x1xf32>
    %eq3A_12 = arith.constant 0 : i32
    %eq3A_13 = arith.cmpi eq, %arg0, %eq3A_12 : i32
    %convert_element_type3A_14 = arith.extui %eq3A_13 : i1 to i32
    %cond3A = arith.constant 0 : i32
    %cond3A_15 = arith.cmpi ne, %convert_element_type3A_14, %cond3A : i32
    scf.if %cond3A_15 {
      %broadcast_in_dim3A_30 = arith.constant 0.000000e+00 : f32
      %broadcast_in_dim3A_31 = vector.broadcast %broadcast_in_dim3A_30 : f32 to vector<64x128xf32>
      %swap3A_32 = arith.constant 0 : index
      %swap3A_33 = arith.constant 0 : index
      %swap3A_34 = vector.load %arg3[%swap3A_32, %swap3A_33] : memref<64x128xf32, #tpu.memory_space<vmem>>, vector<64x128xf32>
      tpu.vector_store %arg3[%swap3A_32, %swap3A_33], %broadcast_in_dim3A_31 {strides = array<i32>} : memref<64x128xf32, #tpu.memory_space<vmem>>, vector<64x128xf32>,
      %broadcast_in_dim3A_35 = arith.constant 0.000000e+00 : f32
      %broadcast_in_dim3A_36 = vector.broadcast %broadcast_in_dim3A_35 : f32 to vector<64x128xf32>
      %swap3A_37 = arith.constant 0 : index
      %swap3A_38 = arith.constant 0 : index
      %swap3A_39 = vector.load %arg4[%swap3A_37, %swap3A_38] : memref<64x128xf32, #tpu.memory_space<vmem>>, vector<64x128xf32>
      tpu.vector_store %arg4[%swap3A_37, %swap3A_38], %broadcast_in_dim3A_36 {strides = array<i32>} : memref<64x128xf32, #tpu.memory_space<vmem>>, vector<64x128xf32>,
    } else {
    }
    %get3A_16 = arith.constant 0 : index
    %get3A_17 = arith.constant 0 : index
    %get3A_18 = vector.load %arg3[%get3A_16, %get3A_17] : memref<64x128xf32, #tpu.memory_space<vmem>>, vector<64x128xf32>
    %add3A = arith.addf %get3A_18, %dot_general3A_9 : vector<64x128xf32>
    %swap3A = arith.constant 0 : index
    %swap3A_19 = arith.constant 0 : index
    %swap3A_20 = vector.load %arg3[%swap3A, %swap3A_19] : memref<64x128xf32, #tpu.memory_space<vmem>>, vector<64x128xf32>
    tpu.vector_store %arg3[%swap3A, %swap3A_19], %add3A {strides = array<i32>} : memref<64x128xf32, #tpu.memory_space<vmem>>, vector<64x128xf32>,
    %get3A_21 = arith.constant 0 : index
    %get3A_22 = arith.constant 0 : index
    %get3A_23 = vector.load %arg4[%get3A_21, %get3A_22] : memref<64x128xf32, #tpu.memory_space<vmem>>, vector<64x128xf32>
    %broadcast_in_dim3A_24 = vector.shape_cast %broadcast_in_dim3A_11 : vector<64x1xf32> to vector<64x1xf32>
    %broadcast_in_dim3A_25 = vector.broadcast %broadcast_in_dim3A_24 : vector<64x1xf32> to vector<64x128xf32>
    %add3A_26 = arith.addf %get3A_23, %broadcast_in_dim3A_25 : vector<64x128xf32>
    %swap3A_27 = arith.constant 0 : index
    %swap3A_28 = arith.constant 0 : index
    %swap3A_29 = vector.load %arg4[%swap3A_27, %swap3A_28] : memref<64x128xf32, #tpu.memory_space<vmem>>, vector<64x128xf32>
    tpu.vector_store %arg4[%swap3A_27, %swap3A_28], %add3A_26 {strides = array<i32>} : memref<64x128xf32, #tpu.memory_space<vmem>>, vector<64x128xf32>,
    return
  }
  func.func @transform_0(%arg0: i32) -> (i32, i32, i32) {
    %c0_i32 = arith.constant 0 : i32
    %c0_i32_0 = arith.constant 0 : i32
    %c0_i32_1 = arith.constant 0 : i32
    return %arg0, %c0_i32, %c0_i32_0 : i32, i32, i32
  }
  func.func @transform_1(%arg0: i32) -> (i32, i32) {
    %c0_i32 = arith.constant 0 : i32
    %c0_i32_0 = arith.constant 0 : i32
    return %arg0, %c0_i32 : i32, i32
  }
  func.func @transform_2(%arg0: i32) -> (i32, i32) {
    %c0_i32 = arith.constant 0 : i32
    %c0_i32_0 = arith.constant 0 : i32
    %c0_i32_1 = arith.constant 0 : i32
    return %c0_i32, %c0_i32_0 : i32, i32
  }
  func.func @transform_3(%arg0: i32) -> (i32, i32) {
    %c0_i32 = arith.constant 0 : i32
    %c0_i32_0 = arith.constant 0 : i32
    %c0_i32_1 = arith.constant 0 : i32
    return %c0_i32, %c0_i32_0 : i32, i32
  }
}

module attributes {stable_mosaic.version = 14 : i64} {
  func.func @body(%arg0: memref<2x72x128xf32, #tpu.memory_space<vmem>>, %arg1: memref<2x72x16xf32, #tpu.memory_space<vmem>>, %arg2: memref<64x128xf32, #tpu.memory_space<vmem>>, %arg3: memref<64x128xf32, #tpu.memory_space<vmem>>, %arg4: memref<1x1xf32, #tpu.memory_space<smem>>) attributes {dimension_semantics = [], scalar_prefetch = 0 : i64, scratch_operands = 0 : i64, tpu.core_type = #tpu.core_type<tc>} {
    %get3A = arith.constant 0 : index
    %get3A_0 = arith.constant 0 : index
    %get3A_1 = arith.constant 0 : index
    %get3A_2 = vector.load %arg0[%get3A, %get3A_0, %get3A_1] : memref<2x72x128xf32, #tpu.memory_space<vmem>>, vector<1x64x128xf32>
    %get3A_3 = vector.shape_cast %get3A_2 : vector<1x64x128xf32> to vector<64x128xf32>
    %get3A_4 = arith.constant 1 : index
    %get3A_5 = arith.constant 0 : index
    %get3A_6 = arith.constant 0 : index
    %get3A_7 = vector.load %arg0[%get3A_4, %get3A_5, %get3A_6] : memref<2x72x128xf32, #tpu.memory_space<vmem>>, vector<1x64x128xf32>
    %get3A_8 = vector.shape_cast %get3A_7 : vector<1x64x128xf32> to vector<64x128xf32>
    %add3A = arith.addf %get3A_3, %get3A_8 : vector<64x128xf32>
    %get3A_9 = arith.constant 0 : index
    %get3A_10 = arith.constant 0 : index
    %get3A_11 = vector.load %arg2[%get3A_9, %get3A_10] : memref<64x128xf32, #tpu.memory_space<vmem>>, vector<64x128xf32>
    %add3A_12 = arith.addf %add3A, %get3A_11 : vector<64x128xf32>
    %get3A_13 = arith.constant 0 : index
    %get3A_14 = arith.constant 0 : index
    %get3A_15 = arith.constant 0 : index
    %get3A_16 = vector.load %arg1[%get3A_13, %get3A_14, %get3A_15] : memref<2x72x16xf32, #tpu.memory_space<vmem>>, vector<1x64x1xf32>
    %get3A_17 = vector.shape_cast %get3A_16 : vector<1x64x1xf32> to vector<64x1xf32>
    %get3A_18 = arith.constant 1 : index
    %get3A_19 = arith.constant 0 : index
    %get3A_20 = arith.constant 0 : index
    %get3A_21 = vector.load %arg1[%get3A_18, %get3A_19, %get3A_20] : memref<2x72x16xf32, #tpu.memory_space<vmem>>, vector<1x64x1xf32>
    %get3A_22 = vector.shape_cast %get3A_21 : vector<1x64x1xf32> to vector<64x1xf32>
    %add3A_23 = arith.addf %get3A_17, %get3A_22 : vector<64x1xf32>
    %get3A_24 = arith.constant 0 : index
    %get3A_25 = arith.constant 0 : index
    %get3A_26 = vector.load %arg3[%get3A_24, %get3A_25] : memref<64x128xf32, #tpu.memory_space<vmem>>, vector<64x1xf32>
    %add3A_27 = arith.addf %add3A_23, %get3A_26 : vector<64x1xf32>
    %div3A = vector.broadcast %add3A_27 : vector<64x1xf32> to vector<64x128xf32>
    %div3A_28 = arith.divf %add3A_12, %div3A : vector<64x128xf32>
    %reduce_sum3A = arith.constant dense<0.000000e+00> : vector<128xf32>
    %reduce_sum3A_29 = vector.multi_reduction <add>, %div3A_28, %reduce_sum3A [0] : vector<64x128xf32> to vector<128xf32>
    %broadcast_in_dim3A = vector.shape_cast %reduce_sum3A_29 : vector<128xf32> to vector<1x128xf32>
    %div3A_30 = arith.constant 6.400000e+01 : f32
    %div3A_31 = vector.broadcast %div3A_30 : f32 to vector<1x128xf32>
    %div3A_32 = arith.divf %broadcast_in_dim3A, %div3A_31 : vector<1x128xf32>
    %sub3A = vector.broadcast %div3A_32 : vector<1x128xf32> to vector<64x128xf32>
    %sub3A_33 = arith.subf %div3A_28, %sub3A : vector<64x128xf32>
    %integer_pow3A = arith.mulf %sub3A_33, %sub3A_33 : vector<64x128xf32>
    %reduce_sum3A_34 = arith.constant dense<0.000000e+00> : vector<128xf32>
    %reduce_sum3A_35 = vector.multi_reduction <add>, %integer_pow3A, %reduce_sum3A_34 [0] : vector<64x128xf32> to vector<128xf32>
    %div3A_36 = arith.constant 6.300000e+01 : f32
    %div3A_37 = vector.broadcast %div3A_36 : f32 to vector<128xf32>
    %div3A_38 = arith.divf %reduce_sum3A_35, %div3A_37 : vector<128xf32>
    %reduce_sum3A_39 = vector.shape_cast %div3A_38 : vector<128xf32> to vector<1x128xf32>
    %reduce_sum3A_40 = arith.constant dense<0.000000e+00> : vector<1xf32>
    %reduce_sum3A_41 = vector.multi_reduction <add>, %reduce_sum3A_39, %reduce_sum3A_40 [1] : vector<1x128xf32> to vector<1xf32>
    %reduce_sum3A_42 = vector.shape_cast %reduce_sum3A_41 : vector<1xf32> to vector<1x1xf32>
    %reduce_sum3A_43 = vector.extract %reduce_sum3A_42[0, 0] : f32 from vector<1x1xf32>
    %div3A_44 = arith.constant 1.280000e+02 : f32
    %div3A_45 = arith.divf %reduce_sum3A_43, %div3A_44 : f32
    %mul3A = arith.constant -0.00999999977 : f32
    %mul3A_46 = arith.mulf %mul3A, %div3A_45 : f32
    %swap3A = arith.constant 0 : index
    %swap3A_47 = arith.constant 0 : index
    %swap3A_48 = memref.load %arg4[%swap3A, %swap3A_47] : memref<1x1xf32, #tpu.memory_space<smem>>
    memref.store %mul3A_46, %arg4[%swap3A, %swap3A_47] : memref<1x1xf32, #tpu.memory_space<smem>>
    return
  }
}

</mosaic_0001>

<sc_bundles>
// kernel: kernel.5.cloned.1.call-start
scs
__scs_entry_jumppad:
0x0: {  	(pc) =	sbr.rel $0x88, $3  }
0x1: {  	(tag) =	ssettag $0x0;
	lr =	simm.s32 $0x1  }
0x2: {  	[smem:$0x3F9F] =	sst lr;
	_ =	strace $0xD0000000  }
0x3: {  	_ = 	snop  }
0x4: {  	_ = 	snop  }
0x5: {  	_ = 	snop  }
0x6: {  	_ = 	snop  }
0x7: {  	_ = 	snop  }
__scs_overlays_trampoline_lowered:
0x8: {  	[smem:$0x3FAE] =	sst s0  }
0x9: {  	[smem:$0x3FAF] =	sst s1  }
0xa: {  	[smem:$0x3FB0] =	sst s2  }
0xb: {  	[smem:$0x3FB1] =	sst s3  }
0xc: {  	[smem:$0x3FB2] =	sst s4  }
0xd: {  	[smem:$0x3FB3] =	sst s5  }
0xe: {  	[smem:$0x3FB4] =	sst s6  }
0xf: {  	[smem:$0x3FB5] =	sst s7  }
0x10: {  	[smem:$0x3FB6] =	sst s8  }
0x11: {  	[smem:$0x3FB7] =	sst s9;
	s0 =	simm.s32 @!p0 $0x0  }
0x12: {  	s1 =	sld [smem:$0x3F9D];
	s0 =	simm.s32 @p0 $0x1  }
0x13: {  	[smem:$0x3FB8] =	sst s0;
	s0 =	simm.s32 @!p1 $0x0  }
0x14: {  	s2 =	sld [smem:$0x3F9C];
	s0 =	simm.s32 @p1 $0x1  }
0x15: {  	[smem:$0x3FB9] =	sst s0;
	s0 =	simm.s32 @!p2 $0x0  }
0x16: {  	s3 =	sld [smem:$0x3FDB];
	s0 =	simm.s32 @p2 $0x1  }
0x17: {  	s4 =	simm.s32 $0x1BF5;
	[smem:$0x3FBB] =	sst s0  }
0x18: {  	s0 =	sld [smem:$0x3F9E];
	_ =	swait.ge [sflag:s4], $0x0  }
0x19: {  	s7 =	sld [smem:$0x3F9F]  }
0x1a: {  	s8 =	sadd.s32 $0xFFFFE003, lr  }
0x1b: {  	s9 =	sadd.s32 $0xFFFFFEF7, lr;
	s5 =	simm.s32 $0xFFFFFFFF;
	p2 =	slt.u32 s8, $0xFFFFF086  }
0x1c: {  	p1 =	slt.u32 s9, $0xF7A;
	s5 =	simm.s32 @!p2 $0x0  }
0x1d: {  	s5 =	simm.s32 @p1 $0x1;
	p0 =	seq.s32 s7, s2  }
0x1e: {  	s7 =	smul.u32 @!p0 $0xF7A, s2;
	p2 =	seq.s32 @!p0 s5, $0x0  }
0x1f: {  	s9 =	smul.u32 $0xF7A, s1;
	s8 =	simm.s32 @!p0 $0x1BF5;
	p2 =	por !p2, p0  }
0x20: {  	[sflag:s8] =	ssyncset.s32 @!p0 $0xFFFFF086;
	s6 =	sadd.s32 @!p0 s3, s7;
	s7 =	simm.s32 @!p0 $0x108  }
0x21: {  	s3 =	sadd.s32 s3, s9;
	s6 =	sadd.s32 @!p0 $0x88, s6;
	s7 =	simm.s32 @p2 $0x1082  }
0x22: {  	[simem:s7], [sflag:s8] =	dma.local @!p0 [hbm:s6], $0xF7A  }
0x23: {  	s9 =	sor.u32 $0xD0000000, s2;
	s6 =	simm.s32 $0x108;
	_ =	swait.ge @!p0 [sflag:s8], $0x0  }
0x24: {  	s3 =	sadd.s32 $0x88, s3;
	s6 =	simm.s32 @!p1 $0x1082;
	[sflag:s4] =	ssyncset.s32 $0xFFFFF086  }
0x25: {  	[simem:s6], [sflag:s4] =	dma.local [hbm:s3], $0xF7A  }
0x26: {  	[smem:$0x3F9F] =	sst s1;
	(tag) =	ssettag s2;
	_ =	strace s9  }
0x27: {  	s1 =	sld [smem:$0x3FAF]  }
0x28: {  	s2 =	sld [smem:$0x3FB0]  }
0x29: {  	s4 =	sld [smem:$0x3FB2]  }
0x2a: {  	p0 =	seq.s32 s5, $0x0;
	s5 =	sld [smem:$0x3FB3]  }
0x2b: {  	s6 =	sld [smem:$0x3FB4]  }
0x2c: {  	s7 =	sld [smem:$0x3FB5]  }
0x2d: {  	s3 =	simm.s32 $0x108;
	s8 =	sld [smem:$0x3FB6]  }
0x2e: {  	s3 =	simm.s32 @!p0 $0x1082;
	s9 =	sld [smem:$0x3FB7]  }
0x2f: {  	lr =	sadd.s32 s0, s3;
	s0 =	sld [smem:$0x3FAE]  }
0x30: {  	s3 =	sld [smem:$0x3FB1]  }
0x31: {  	[smem:$0x3FBA] =	sst s10  }
0x32: {  	s10 =	sld [smem:$0x3FB8];
	_ =	sdelay $0x3  }
0x33: {  	p0 =	seq.s32 s10, $0x1;
	s10 =	sld [smem:$0x3FBA];
	_ =	sdelay $0x3  }
0x34: {  	[smem:$0x3FBA] =	sst s10  }
0x35: {  	s10 =	sld [smem:$0x3FB9];
	_ =	sdelay $0x3  }
0x36: {  	p1 =	seq.s32 s10, $0x1;
	s10 =	sld [smem:$0x3FBA];
	_ =	sdelay $0x3  }
0x37: {  	[smem:$0x3FBA] =	sst s10  }
0x38: {  	s10 =	sld [smem:$0x3FBB]  }
0x39: {  	_ = 	snop;
	(pc) =	sbr.ind lr, $3  }
0x3a: {  	_ = 	snop  }
0x3b: {  	_ = 	snop  }
0x3c: {  	p2 =	seq.s32 s10, $0x1;
	s10 =	sld [smem:$0x3FBA]  }
0x3d: {  	_ =	shalt  }
0x3e: {  	_ =	shalt  }
0x3f: {  	_ =	shalt  }
0x40: {  	_ =	shalt  }
0x41: {  	_ =	shalt  }
0x42: {  	_ =	shalt  }
0x43: {  	_ =	shalt  }
0x44: {  	_ =	shalt  }
0x45: {  	_ =	shalt  }
0x46: {  	_ =	shalt  }
0x47: {  	_ =	shalt  }
0x48: {  	_ =	shalt  }
0x49: {  	_ =	shalt  }
0x4a: {  	_ =	shalt  }
0x4b: {  	_ =	shalt  }
0x4c: {  	_ =	shalt  }
0x4d: {  	_ =	shalt  }
0x4e: {  	_ =	shalt  }
0x4f: {  	_ =	shalt  }
0x50: {  	_ =	shalt  }
0x51: {  	_ =	shalt  }
0x52: {  	_ =	shalt  }
0x53: {  	_ =	shalt  }
0x54: {  	_ =	shalt  }
0x55: {  	_ =	shalt  }
0x56: {  	_ =	shalt  }
0x57: {  	_ =	shalt  }
0x58: {  	_ =	shalt  }
0x59: {  	_ =	shalt  }
0x5a: {  	_ =	shalt  }
0x5b: {  	_ =	shalt  }
0x5c: {  	_ =	shalt  }
0x5d: {  	_ =	shalt  }
0x5e: {  	_ =	shalt  }
0x5f: {  	_ =	shalt  }
0x60: {  	_ =	shalt  }
0x61: {  	_ =	shalt  }
0x62: {  	_ =	shalt  }
0x63: {  	_ =	shalt  }
0x64: {  	_ =	shalt  }
0x65: {  	_ =	shalt  }
0x66: {  	_ =	shalt  }
0x67: {  	_ =	shalt  }
0x68: {  	_ =	shalt  }
0x69: {  	_ =	shalt  }
0x6a: {  	_ =	shalt  }
0x6b: {  	_ =	shalt  }
0x6c: {  	_ =	shalt  }
0x6d: {  	_ =	shalt  }
0x6e: {  	_ =	shalt  }
0x6f: {  	_ =	shalt  }
0x70: {  	_ =	shalt  }
0x71: {  	_ =	shalt  }
0x72: {  	_ =	shalt  }
0x73: {  	_ =	shalt  }
0x74: {  	_ =	shalt  }
0x75: {  	_ =	shalt  }
0x76: {  	_ =	shalt  }
0x77: {  	_ =	shalt  }
0x78: {  	_ =	shalt  }
0x79: {  	_ =	shalt  }
0x7a: {  	_ =	shalt  }
0x7b: {  	_ =	shalt  }
0x7c: {  	_ =	shalt  }
0x7d: {  	_ =	shalt  }
0x7e: {  	_ =	shalt  }
0x7f: {  	_ =	shalt  }
0x80: {  	_ =	shalt  }
0x81: {  	_ =	shalt  }
0x82: {  	_ =	shalt  }
0x83: {  	_ =	shalt  }
0x84: {  	_ =	shalt  }
0x85: {  	_ =	shalt  }
0x86: {  	_ =	shalt  }
0x87: {  	_ =	shalt  }
.Lfunc_end0:
.L_simem_size_0:
called_computation_lowered:
.L_overlay_start_0:
0x88: {  	s2 =	sld [smem:$0x3FD9]  }
0x89: {  	s3 =	sld [smem:$0x3FFE];
	_ =	sdelay $0x1  }
0x8a: {  	s1 =	srdreg.scid  }
0x8b: {  	s0 =	sand.u32 $0x1, s1  }
0x8c: {  	s17 =	sshll.u32 s0, $0xA;
	s2 =	sadd.s32 s3, s2  }
0x8d: {  	s2 =	sadd.s32 s2, s17  }
0x8e: {  	[smem:$0x3FC6] =	sst s2  }
0x8f: {  	_ = 	snop  }
0x90: {  	s2 =	sld [smem:$0x3FC9];
	(tm) =	ssettm $0x1  }
0x91: {  	s18 =	sld [smem:$0x3FFB];
	_ =	sdelay $0x3  }
0x92: {  	_ =	strace s18  }
0x93: {  	s3 =	sld [smem:$0x3FFC];
	_ =	sdelay $0x3  }
0x94: {  	_ =	strace s3  }
0x95: {  	s3 =	sld [smem:$0x3FFD];
	_ =	sdelay $0x3  }
0x96: {  	_ =	strace s3  }
0x97: {  	_ =	strace $0x8FFFFFFF  }
0x98: {  	s19 =	sld [smem:$0x3FDB];
	_ =	sdelay $0x1  }
0x99: {  	s4 =	simm.s32 $_scs_section_size  }
0x9a: {  	s5 =	simm.s32 $_size__tile_overlayer_lowered;
	s6 =	simm.s32 $_tile_overlayer_lowered  }
0x9b: {  	s22 =	simm.s32 $0x1BFF;
	s21 =	sshll.u32 s6, $0x1;
	s3 =	sadd.s32 s4, s19  }
0x9c: {  	s7 =	simm.s32 $0x0;
	s20 =	sshll.u32 s5, $0x1;
	s5 =	sadd.s32 s21, s3  }
0x9d: {  	[timem:s7], [sflag:s22] =	dma.local [hbm:s5], s20  }
0x9e: {  	_ =	swait.ge [sflag:s22], s20  }
0x9f: {  	s4 =	ssub.s32 $0x0, s20;
	[sflag:s22] =	ssyncset.done $0x0  }
0xa0: {  	[sflag:s22] =	ssyncadd.s32 s4;
	_ =	sdelay $0x1  }
0xa1: {  	s23 =	simm.s32 $0x1B8B  }
0xa2: {  	_ =	swait.ge [sflag:s23], $0x1  }
0xa3: {  	[sflag:s23] =	ssyncset.done $0x0  }
0xa4: {  	s25 =	simm.s32 $0x1B8E;
	s24 =	sld [smem:$0x3FFE];
	[sflag:s23] =	ssyncadd.s32 $0xFFFFFFFF  }
0xa5: {  	s26 =	simm.s32 $execute0_lowered;
	[smem:$0x3FD2] =	sst s25  }
0xa6: {  	s5 =	sshll.u32 s26, $0x1;
	_ =	strace $0x80000046;
	[dreg:$0x1] =	wrdreg $0xFFFFFFFF  }
0xa7: {  	s28 =	simm.s32 $_size_execute0_lowered;
	s3 =	sadd.s32 s3, s5;
	[dreg:$0x0] =	wrdreg $0x0  }
0xa8: {  	s5 =	sshll.u32 s28, $0x1;
	[dreg:$0x2] =	wrdreg s3  }
0xa9: {  	[dreg:$0x3] =	wrdreg s5  }
0xaa: {  	[dreg:$0x4] =	wrdreg $0xC0  }
0xab: {  	_ =	task [dreg:s7], $0x5FFFF  }
0xac: {  	[dreg:$0x1] =	wrdreg $0xFFFFFFFF  }
0xad: {  	[dreg:$0x0] =	wrdreg $0x60  }
0xae: {  	[dreg:$0x2] =	wrdreg s2  }
0xaf: {  	[dreg:$0x3] =	wrdreg s24  }
0xb0: {  	[dreg:$0x4] =	wrdreg $0xC4000  }
0xb1: {  	[dreg:$0x5] =	wrdreg $0xC6400  }
0xb2: {  	[dreg:$0x6] =	wrdreg $0x9  }
0xb3: {  	_ =	task.clear_ibuf [dreg:s7], $0x7FFFF;
	_ =	strace $0x90000046  }
0xb4: {  	s29 =	simm.s32 $0x9;
	_ =	strace $0x80000048  }
0xb5: {  	_ =	swait.ge [sflag:s29], $0x1  }
0xb6: {  	[sflag:s29] =	ssyncadd.s32 $0xFFFFFFFF  }
0xb7: {  	_ =	strace $0x90000048  }
0xb8: {  	_ =	sfence  }
0xb9: {  	s30 =	sld [smem:$0x0];
	_ =	sdelay $0x2  }
0xba: {  	s31 =	sshll.u32 s1, $0xD;
	s1 =	sshrl.u32 s1, $0x2  }
0xbb: {  	s3 =	sand.u32 $0x4000, s31;
	s1 =	sadd.s32 s1, s30  }
0xbc: {  	s0 =	sor.u32 s3, s0;
	s1 =	sshll.u32 s1, $0x11  }
0xbd: {  	s0 =	sor.u32 s1, s0  }
0xbe: {  	s0 =	sadd.s32 $0x8F2B, s0  }
0xbf: {  	[sflag:s0] =	ssyncadd.remote.s32 $0x1  }
0xc0: {  	_ =	sfence.sel $0xFFFF  }
0xc1: {  	[dreg:$0x0] =	wrdreg $0xFFFFFFFF;
	(pc) =	sbr.abs _section_cstart, $3  }
0xc2: {  	[dreg:$0x1] =	wrdreg $0xFFFFFFFF  }
0xc3: {  	_ =	task.clear_ibuf [dreg:s7], $0x2FFFF;
	_ =	strace $0x9FFFFFFF  }
0xc4: {  	(tm) =	ssettm $0x7FFFFFFF  }
0xc5: {  	_ =	shalt  }
tec
execute0_lowered:
.L_overlay_start_1:
0x0: {  	(tag) =	ssettag $0x1  }
0x1: {  	s4 =	rddreg [dreg:$0x0]  }
0x2: {  	s5 =	rddreg [dreg:$0x1]  }
0x3: {  	s1 =	rddreg [dreg:$0x2]  }
0x4: {  	s2 =	rddreg [dreg:$0x3];
	s6 =	srdreg.scid  }
0x5: {  	s0 =	rddreg [dreg:$0x4];
	s3 =	simm.s32 $0x0;
	s15 =	stileid.u32  }
0x6: {  	s16 =	simm.s32 $0x400;
	s17 =	simm.s32 $0x8400;
	s18 =	simm.s32 $0x1  }
0x7: {  	s19 =	simm.s32 $0x4400;
	s20 =	simm.s32 $0x80;
	s21 =	simm.s32 $0x2  }
0x8: {  	s22 =	simm.s32 $0x100;
	s23 =	simm.s32 $0x180;
	s24 =	simm.s32 $0x200  }
0x9: {  	s25 =	simm.s32 $0x280;
	s26 =	simm.s32 $0x300;
	s28 =	simm.s32 $0x0  }
0xa: {  	s6 =	sand.u32 $0x1, s6;
	[smem:$0x7FF] =	sst s3;
	s11 =	sadd.s32 $0x116A00, s4  }
0xb: {  	p0 =	sne.s32 s15, $0x0;
	s7 =	sshll.u32 s6, $0x4;
	_ =	strace $0x80000047  }
0xc: {  	s8 =	smul.u32 $0x480, s6;
	s6 =	ssub.s32 $0x2, s6;
	s7 =	sor.u32 s15, s7  }
0xd: {  	s31 =	sshrl.u32 s6, $0x1;
	s15 =	simm.s32 $0x3;
	s10 =	smul.u32 $0x1C000, s7  }
0xe: {  	s9 =	sshll.u32 s7, $0x7;
	s8 =	sadd.s32 s8, s5;
	s12 =	smul.u32 $0x3800, s7  }
0xf: {  	s13 =	ssub.s32 s6, s31;
	s9 =	sadd.s32 s9, s5;
	s6 =	sadd.s32 $0x2200, s8  }
0x10: {  	s7 =	sadd.s32 $0x2C00, s8;
	s8 =	smax.u32 s13, $0x1;
	s10 =	sshrl.u32 s10, $0x3  }
0x11: {  	s4 =	sadd.s32 $0x1200, s9;
	s14 =	sadd.s32 s11, s12;
	s5 =	sadd.s32 s10, s11  }
0x12: {  	s9 =	sadd.s32 $0x800, s14;
	s10 =	sadd.s32 $0x1000, s14;
	s11 =	sadd.s32 $0x1800, s14  }
0x13: {  	v0 =	vimm.f32 $0.0e+00;
	v1 =	vimm.f32 $1.000000000e+00;
	s12 =	sadd.s32 $0x2000, s14;
	s13 =	sadd.s32 $0x2800, s14;
	s14 =	sadd.s32 $0x3000, s14  }
.LBB2_1:
.Ltmp0:
0x14: {  	(pc) =	sbr.rel @p0 .LBB2_5-.Ltmp0, $4  }
0x15: {  	[tilespmem:s3], [sflag:$0x3] =	stream.linear.gather [hbm4b:s4+s3], $0x380, $0x38;
	[tilespmem:$0xC688] =	vst v63  }
0x16: {  	_ =	swait.ge [sflag:s15], $0x380  }
0x17: {  	[sflag:s15] =	ssyncset.done $0x0  }
0x18: {  	[sflag:s15] =	ssyncadd.s32 $0xFFFFFC80  }
0x19: {  	s29 =	sshra.s32 s3, $0x2;
	s30 =	sadd.s32 $0x200, s3  }
.LBB2_3:
0x1a: {  	p1 =	sne.s32 s30, $0x8E00;
	[tilespmem:s29+$0x8400] =	vst v0  }
0x1b: {  	[tilespmem:s29+$0x400] =	vst v0  }
0x1c: {  	[tilespmem:s29+$0x410] =	vst v0  }
0x1d: {  	[tilespmem:s29+$0x420] =	vst v0  }
.Ltmp1:
0x1e: {  	[tilespmem:s29+$0x430] =	vst v0;
	(pc) =	sbr.rel @p1 .LBB2_3-.Ltmp1, $4  }
0x1f: {  	[tilespmem:s29+$0x440] =	vst v0  }
0x20: {  	[tilespmem:s29+$0x450] =	vst v0  }
0x21: {  	[tilespmem:s29+$0x460] =	vst v0  }
0x22: {  	[tilespmem:s29+$0x470] =	vst v0;
	s29 =	sshra.s32 s30, $0x2;
	s30 =	sadd.s32 $0x200, s30  }
0x23: {  	[tilespmem:s29+$0x8400] =	vst v0  }
0x24: {  	[tilespmem:s29+$0x400] =	vst v0  }
0x25: {  	[tilespmem:s29+$0x410] =	vst v0  }
0x26: {  	[tilespmem:s29+$0x420] =	vst v0  }
0x27: {  	[tilespmem:s29+$0x430] =	vst v0  }
0x28: {  	[tilespmem:s29+$0x440] =	vst v0  }
0x29: {  	[tilespmem:s29+$0x450] =	vst v0  }
0x2a: {  	[tilespmem:s29+$0x460] =	vst v0  }
0x2b: {  	[tilespmem:s29+$0x470] =	vst v0  }
0x2c: {  	[spmem:s1] =	stream.linear.scatter [tilespmem:s16], [sflag:$0x3], $0x2400, $0x38;
	[tilespmem:$0xC688] =	vst v63  }
0x2d: {  	_ =	swait.ge [sflag:s15], $0x2400  }
0x2e: {  	[sflag:s15] =	ssyncset.done $0x0  }
0x2f: {  	[sflag:s15] =	ssyncadd.s32 $0xFFFFDC00  }
0x30: {  	[spmem:s2] =	stream.linear.scatter [tilespmem:s17], [sflag:$0x3], $0x2400, $0x38;
	[tilespmem:$0xC688] =	vst v63  }
0x31: {  	_ =	swait.ge [sflag:s15], $0x2400  }
0x32: {  	[sflag:s15] =	ssyncset.done $0x0  }
0x33: {  	[sflag:s15] =	ssyncadd.s32 $0xFFFFDC00  }
.LBB2_5:
0x34: {  	s29 =	simm.s32 $0x200;
	s30 =	simm.s32 $0x0  }
.LBB2_6:
0x35: {  	p1 =	sne.s32 s29, $0xFE00;
	[tilespmem:s30+$0x8400] =	vst v1;
	s30 =	smov.u32 s29;
	s29 =	sadd.s32 $0x200, s29  }
.Ltmp2:
0x36: {  	(pc) =	sbr.rel @p1 .LBB2_6-.Ltmp2, $2  }
0x37: {  	_ =	sdelay $0x2  }
0x38: {  	s30 =	sshra.s32 s30, $0x2  }
0x39: {  	[tilespmem:s30+$0x8400] =	vst v1  }
0x3a: {  	[bflag:$0x0] =	sbarrier.arrive $0xFFFF  }
0x3b: {  	[tilespmem:s16], [sflag:$0x1] =	stream.linear.gather [hbm4b:s5+s3], $0x4000, $0x38;
	[tilespmem:$0xC688] =	vst v63  }
0x3c: {  	_ =	swait.ge [sflag:s18], $0x4000  }
0x3d: {  	[sflag:s18] =	ssyncset.done $0x0  }
0x3e: {  	[sflag:s18] =	ssyncadd.s32 $0xFFFFC000  }
0x3f: {  	[tilespmem:s19], [sflag:$0x2] =	stream.linear.gather [hbm4b:s9+s3], $0x4000, $0x38;
	[tilespmem:$0xC688] =	vst v63  }
0x40: {  	_ = 	snop  }
0x41: {  	[spmem:s1] =	stream.indirect.scatter.add.f32 [tilespmem:s16], [sflag:$0x3], $0x80, s3, s20, $0xb8;
	[tilespmem:$0xC688] =	vst v63  }
0x42: {  	_ =	swait.ge [sflag:s15], $0x4000  }
0x43: {  	[sflag:s15] =	ssyncset.done $0x0  }
0x44: {  	[sflag:s15] =	ssyncadd.s32 $0xFFFFC000  }
0x45: {  	[spmem:s2] =	stream.indirect.scatter.add.f32 [tilespmem:s17], [sflag:$0x3], $0x10, s3, s20, $0xb8;
	[tilespmem:$0xC688] =	vst v63  }
0x46: {  	_ =	swait.ge [sflag:s15], $0x800  }
0x47: {  	[sflag:s15] =	ssyncset.done $0x0  }
0x48: {  	[sflag:s15] =	ssyncadd.s32 $0xFFFFF800  }
0x49: {  	_ =	swait.ge [sflag:s21], $0x4000  }
0x4a: {  	[sflag:s21] =	ssyncset.done $0x0  }
0x4b: {  	[sflag:s21] =	ssyncadd.s32 $0xFFFFC000  }
0x4c: {  	[tilespmem:s16], [sflag:$0x1] =	stream.linear.gather [hbm4b:s10+s3], $0x4000, $0x38;
	[tilespmem:$0xC688] =	vst v63  }
0x4d: {  	_ = 	snop  }
0x4e: {  	[spmem:s1] =	stream.indirect.scatter.add.f32 [tilespmem:s19], [sflag:$0x3], $0x80, s20, s20, $0xb8;
	[tilespmem:$0xC688] =	vst v63  }
0x4f: {  	_ =	swait.ge [sflag:s15], $0x4000  }
0x50: {  	[sflag:s15] =	ssyncset.done $0x0  }
0x51: {  	[sflag:s15] =	ssyncadd.s32 $0xFFFFC000  }
0x52: {  	[spmem:s2] =	stream.indirect.scatter.add.f32 [tilespmem:s17], [sflag:$0x3], $0x10, s20, s20, $0xb8;
	[tilespmem:$0xC688] =	vst v63  }
0x53: {  	_ =	swait.ge [sflag:s15], $0x800  }
0x54: {  	[sflag:s15] =	ssyncset.done $0x0  }
0x55: {  	[sflag:s15] =	ssyncadd.s32 $0xFFFFF800  }
0x56: {  	_ =	swait.ge [sflag:s18], $0x4000  }
0x57: {  	[sflag:s18] =	ssyncset.done $0x0  }
0x58: {  	[sflag:s18] =	ssyncadd.s32 $0xFFFFC000  }
0x59: {  	[tilespmem:s19], [sflag:$0x2] =	stream.linear.gather [hbm4b:s11+s3], $0x4000, $0x38;
	[tilespmem:$0xC688] =	vst v63  }
0x5a: {  	_ = 	snop  }
0x5b: {  	[spmem:s1] =	stream.indirect.scatter.add.f32 [tilespmem:s16], [sflag:$0x3], $0x80, s22, s20, $0xb8;
	[tilespmem:$0xC688] =	vst v63  }
0x5c: {  	_ =	swait.ge [sflag:s15], $0x4000  }
0x5d: {  	[sflag:s15] =	ssyncset.done $0x0  }
0x5e: {  	[sflag:s15] =	ssyncadd.s32 $0xFFFFC000  }
0x5f: {  	[spmem:s2] =	stream.indirect.scatter.add.f32 [tilespmem:s17], [sflag:$0x3], $0x10, s22, s20, $0xb8;
	[tilespmem:$0xC688] =	vst v63  }
0x60: {  	_ =	swait.ge [sflag:s15], $0x800  }
0x61: {  	[sflag:s15] =	ssyncset.done $0x0  }
0x62: {  	[sflag:s15] =	ssyncadd.s32 $0xFFFFF800  }
0x63: {  	_ =	swait.ge [sflag:s21], $0x4000  }
0x64: {  	[sflag:s21] =	ssyncset.done $0x0  }
0x65: {  	[sflag:s21] =	ssyncadd.s32 $0xFFFFC000  }
0x66: {  	[tilespmem:s16], [sflag:$0x1] =	stream.linear.gather [hbm4b:s12+s3], $0x4000, $0x38;
	[tilespmem:$0xC688] =	vst v63  }
0x67: {  	_ = 	snop  }
0x68: {  	[spmem:s1] =	stream.indirect.scatter.add.f32 [tilespmem:s19], [sflag:$0x3], $0x80, s23, s20, $0xb8;
	[tilespmem:$0xC688] =	vst v63  }
0x69: {  	_ =	swait.ge [sflag:s15], $0x4000  }
0x6a: {  	[sflag:s15] =	ssyncset.done $0x0  }
0x6b: {  	[sflag:s15] =	ssyncadd.s32 $0xFFFFC000  }
0x6c: {  	[spmem:s2] =	stream.indirect.scatter.add.f32 [tilespmem:s17], [sflag:$0x3], $0x10, s23, s20, $0xb8;
	[tilespmem:$0xC688] =	vst v63  }
0x6d: {  	_ =	swait.ge [sflag:s15], $0x800  }
0x6e: {  	[sflag:s15] =	ssyncset.done $0x0  }
0x6f: {  	[sflag:s15] =	ssyncadd.s32 $0xFFFFF800  }
0x70: {  	_ =	swait.ge [sflag:s18], $0x4000  }
0x71: {  	[sflag:s18] =	ssyncset.done $0x0  }
0x72: {  	[sflag:s18] =	ssyncadd.s32 $0xFFFFC000  }
0x73: {  	[tilespmem:s19], [sflag:$0x2] =	stream.linear.gather [hbm4b:s13+s3], $0x4000, $0x38;
	[tilespmem:$0xC688] =	vst v63  }
0x74: {  	_ = 	snop  }
0x75: {  	[spmem:s1] =	stream.indirect.scatter.add.f32 [tilespmem:s16], [sflag:$0x3], $0x80, s24, s20, $0xb8;
	[tilespmem:$0xC688] =	vst v63  }
0x76: {  	_ =	swait.ge [sflag:s15], $0x4000  }
0x77: {  	[sflag:s15] =	ssyncset.done $0x0  }
0x78: {  	[sflag:s15] =	ssyncadd.s32 $0xFFFFC000  }
0x79: {  	[spmem:s2] =	stream.indirect.scatter.add.f32 [tilespmem:s17], [sflag:$0x3], $0x10, s24, s20, $0xb8;
	[tilespmem:$0xC688] =	vst v63  }
0x7a: {  	_ =	swait.ge [sflag:s15], $0x800  }
0x7b: {  	[sflag:s15] =	ssyncset.done $0x0  }
0x7c: {  	[sflag:s15] =	ssyncadd.s32 $0xFFFFF800  }
0x7d: {  	_ =	swait.ge [sflag:s21], $0x4000  }
0x7e: {  	[sflag:s21] =	ssyncset.done $0x0  }
0x7f: {  	[sflag:s21] =	ssyncadd.s32 $0xFFFFC000  }
0x80: {  	[tilespmem:s16], [sflag:$0x1] =	stream.linear.gather [hbm4b:s14+s3], $0x4000, $0x38;
	[tilespmem:$0xC688] =	vst v63  }
0x81: {  	_ = 	snop  }
0x82: {  	[spmem:s1] =	stream.indirect.scatter.add.f32 [tilespmem:s19], [sflag:$0x3], $0x80, s25, s20, $0xb8;
	[tilespmem:$0xC688] =	vst v63  }
0x83: {  	_ =	swait.ge [sflag:s15], $0x4000  }
0x84: {  	[sflag:s15] =	ssyncset.done $0x0  }
0x85: {  	[sflag:s15] =	ssyncadd.s32 $0xFFFFC000  }
0x86: {  	[spmem:s2] =	stream.indirect.scatter.add.f32 [tilespmem:s17], [sflag:$0x3], $0x10, s25, s20, $0xb8;
	[tilespmem:$0xC688] =	vst v63  }
0x87: {  	_ =	swait.ge [sflag:s15], $0x800  }
0x88: {  	[sflag:s15] =	ssyncset.done $0x0  }
0x89: {  	[sflag:s15] =	ssyncadd.s32 $0xFFFFF800  }
0x8a: {  	_ =	swait.ge [sflag:s18], $0x4000  }
0x8b: {  	[sflag:s18] =	ssyncset.done $0x0  }
0x8c: {  	[sflag:s18] =	ssyncadd.s32 $0xFFFFC000  }
0x8d: {  	[spmem:s1] =	stream.indirect.scatter.add.f32 [tilespmem:s16], [sflag:$0x3], $0x80, s26, s20, $0xb8;
	[tilespmem:$0xC688] =	vst v63  }
0x8e: {  	_ =	swait.ge [sflag:s15], $0x4000  }
0x8f: {  	[sflag:s15] =	ssyncset.done $0x0  }
0x90: {  	[sflag:s15] =	ssyncadd.s32 $0xFFFFC000  }
0x91: {  	[spmem:s2] =	stream.indirect.scatter.add.f32 [tilespmem:s17], [sflag:$0x3], $0x10, s26, s20, $0xb8;
	[tilespmem:$0xC688] =	vst v63  }
0x92: {  	_ =	swait.ge [sflag:s15], $0x800  }
0x93: {  	[sflag:s15] =	ssyncset.done $0x0  }
0x94: {  	[sflag:s15] =	ssyncadd.s32 $0xFFFFF800  }
0x95: {  	s29 =	sshrl.u32 @!p0 s1, $0x3;
	s30 =	simm.s32 @!p0 $0x1C03;
	[bflag:$0x0] =	sbarrier.arrive $0xFFFF  }
0x96: {  	[hbm:s6], [sflag:s30] =	dma.local @!p0 [spmem:s29], $0x480  }
0x97: {  	s29 =	simm.s32 @!p0 $0x3  }
0x98: {  	s28 =	sadd.s32 $0x1, s28;
	_ =	swait.ge @!p0 [sflag:s29], $0x480  }
0x99: {  	p1 =	sne.s32 s28, s8;
	[sflag:s29] =	ssyncset.done @!p0 $0x0  }
.Ltmp3:
0x9a: {  	s31 =	sshrl.u32 @!p0 s2, $0x3;
	[sflag:s29] =	ssyncadd.s32 @!p0 $0xFFFFFB80;
	(pc) =	sbr.rel @p1 .LBB2_1-.Ltmp3, $4  }
0x9b: {  	[hbm:s7], [sflag:s30] =	dma.local @!p0 [spmem:s31], $0x480  }
0x9c: {  	_ =	swait.ge @!p0 [sflag:s29], $0x480  }
0x9d: {  	[sflag:s29] =	ssyncset.done @!p0 $0x0  }
0x9e: {  	[sflag:s29] =	ssyncadd.s32 @!p0 $0xFFFFFB80  }
0x9f: {  	_ =	sfence.sel $0x180000  }
0xa0: {  	[bflag:$0x0] =	sbarrier.arrive $0xFFFF  }
0xa1: {  	_ =	strace $0x90000047  }
0xa2: {  	s0 =	sadd.s32 @!p0 $0x100000, s0;
	[bflag:$0x2] =	sbarrier.arrive $0xFFFF  }
0xa3: {  	[sflag:s0] =	ssyncadd.tile.s32 @!p0 $0x1;
	_ =	shalt  }
.Lfunc_end2:
_tile_overlayer_lowered:
.L_overlay_start_2:
0xa4: {  	(tag) =	ssettag $0x2  }
0xa5: {  	s0 =	rddreg [dreg:$0x0];
	s2 =	stileid.u32  }
0xa6: {  	s1 =	rddreg [dreg:$0x1];
	p0 =	sne.s32 s2, $0x0  }
0xa7: {  	s3 =	rddreg [dreg:$0x2];
	[bflag:$0x3] =	sbarrier.arrive $0xFFFF;
	s2 =	simm.s32 @!p0 $0x1C03  }
0xa8: {  	[timem:s3], [sflag:s2] =	dma.local @!p0 [hbm:s0], s1  }
0xa9: {  	s0 =	simm.s32 @!p0 $0x3  }
0xaa: {  	_ =	swait.ge @!p0 [sflag:s0], s1  }
0xab: {  	s1 =	ssub.s32 @!p0 $0x0, s1;
	[sflag:s0] =	ssyncset.done @!p0 $0x0  }
0xac: {  	[sflag:s0] =	ssyncadd.s32 @!p0 s1  }
0xad: {  	[bflag:$0x3] =	sbarrier.arrive $0xFFFF  }
0xae: {  	_ =	shalt  }

</sc_bundles>
